<compile_context>
chip_gen: v7x
topology: tpu7x:2x2x1
jax: 0.10.2.dev20260603
libtpu: 0.0.44.dev20260713+nightly
codegen_flags: <defaults>
</compile_context>

<pallas_src>
import functools
import jax
import jax.numpy as jnp
from jax import lax
from jax.experimental import pallas as pl
from jax.experimental.pallas import tpu as pltpu
from jax.experimental.pallas import tpu_sc as plsc

_N = 10000
_E = 320000
_D = 128
_NC = 2
_NS = 16
_NW = _NC * _NS
_EPT = _E // _NW
_CH = 128
_NCHUNK = 79
_EPAD = _NCHUNK * _CH
_ACC_ROWS = 10240
_ZPT = _ACC_ROWS // _NS
_RPT = _ZPT

_mesh = plsc.VectorSubcoreMesh(core_axis_name="c", subcore_axis_name="s")


def _zero_rows(rows):
    @pl.loop(0, _CH)
    def _(i):
        for j in range(_D // 16):
            rows[i, pl.ds(j * 16, 16)] = jnp.zeros((16,), jnp.float32)


def _zero_acc_slice(rows, acc, s):
    base = s * _ZPT
    nfull = _ZPT // _CH
    for k in range(nfull):
        pltpu.sync_copy(rows, acc.at[pl.ds(base + k * _CH, _CH)])
    rem = _ZPT - nfull * _CH
    if rem:
        pltpu.sync_copy(rows.at[pl.ds(0, rem)], acc.at[pl.ds(base + nfull * _CH, rem)])


@functools.partial(
    pl.kernel,
    mesh=_mesh,
    out_type=jax.ShapeDtypeStruct((_NC, _ACC_ROWS, _D), jnp.float32),
    scratch_types=[
        pltpu.VMEM((_NCHUNK, _CH), jnp.int32),
        pltpu.VMEM((_CH, _D), jnp.float32),
        pltpu.VMEM_SHARED((_ACC_ROWS, _D), jnp.float32),
    ],
)
def _deg_kernel(dst_hbm, out_hbm, dst_v, rows, acc):
    c = lax.axis_index("c")
    s = lax.axis_index("s")
    w = c * _NS + s
    _zero_rows(rows)
    _zero_acc_slice(rows, acc, s)
    plsc.subcore_barrier()
    @pl.loop(0, _CH)
    def _(i):
        for j in range(_D // 16):
            rows[i, pl.ds(j * 16, 16)] = jnp.ones((16,), jnp.float32)

    pltpu.sync_copy(dst_hbm.at[w], dst_v)

    @pl.loop(0, _NCHUNK)
    def _(j):
        pltpu.sync_copy(rows, acc.at[dst_v.at[j]], add=True)

    plsc.subcore_barrier()
    pltpu.sync_copy(
        acc.at[pl.ds(s * _RPT, _RPT)], out_hbm.at[c, pl.ds(s * _RPT, _RPT)]
    )


@functools.partial(
    pl.kernel,
    mesh=_mesh,
    out_type=jax.ShapeDtypeStruct((_NC, _ACC_ROWS, _D), jnp.float32),
    scratch_types=[
        pltpu.VMEM((_NCHUNK, _CH), jnp.int32),
        pltpu.VMEM((_NCHUNK, _CH), jnp.int32),
        pltpu.VMEM((_CH, _D), jnp.float32),
        pltpu.VMEM_SHARED((_ACC_ROWS, _D), jnp.float32),
        pltpu.SemaphoreType.DMA,
    ],
)
def _seg_kernel(hp_hbm, src_hbm, dst_hbm, out_hbm, src_v, dst_v, rows,
                acc, sem):
    c = lax.axis_index("c")
    s = lax.axis_index("s")
    w = c * _NS + s
    _zero_rows(rows)
    _zero_acc_slice(rows, acc, s)
    plsc.subcore_barrier()
    pltpu.sync_copy(dst_hbm.at[w], dst_v)
    pltpu.sync_copy(src_hbm.at[w], src_v)

    @plsc.parallel_loop(0, _NCHUNK, unroll=2)
    def _(j):
        pltpu.async_copy(hp_hbm.at[src_v.at[j]], rows, sem).wait()
        pltpu.sync_copy(rows, acc.at[dst_v.at[j]], add=True)

    plsc.subcore_barrier()
    pltpu.sync_copy(
        acc.at[pl.ds(s * _RPT, _RPT)], out_hbm.at[c, pl.ds(s * _RPT, _RPT)]
    )


_HI = jax.lax.Precision.HIGHEST


def _tc_pre(x_ref, w1_ref, deg_ref, hp_ref, dinv_ref):
    deg = deg_ref[0, : _N, 0] + deg_ref[1, : _N, 0] + 1.0
    dinv = lax.rsqrt(deg)
    h = jnp.dot(x_ref[...], w1_ref[...], precision=_HI,
                preferred_element_type=jnp.float32)
    hp_ref[...] = h * dinv[:, None]
    dinv_ref[...] = dinv.reshape(1, _N)


def _tc_mid(acc_ref, hp_ref, dinv_ref, b1_ref, g_ref, be_ref, w2_ref, hp2_ref):
    dv = dinv_ref[0, :]
    h = (acc_ref[0, : _N] + acc_ref[1, : _N] + hp_ref[...]) * dv[:, None] + b1_ref[...]
    mean = jnp.mean(h, axis=0)
    xm = h - mean
    var = jnp.mean(xm * xm, axis=0)
    h = g_ref[...] * xm / jnp.sqrt(var + 1e-5) + be_ref[...]
    h = jnp.maximum(h, 0.0)
    h2 = jnp.dot(h, w2_ref[...], precision=_HI,
                 preferred_element_type=jnp.float32)
    hp2_ref[...] = h2 * dv[:, None]


def _tc_post(acc_ref, hp2_ref, dinv_ref, b2_ref, out_ref):
    dv = dinv_ref[0, :]
    out_ref[...] = (acc_ref[0, : _N] + acc_ref[1, : _N] + hp2_ref[...]) * dv[:, None] + b2_ref[...]


def kernel(x, edge_index, W1, b1, gamma, beta, W2, b2):
    src = edge_index[0].reshape(_NW, _EPT)
    dst = edge_index[1].reshape(_NW, _EPT)
    srcp = jnp.pad(src, ((0, 0), (0, _EPAD - _EPT))).reshape(_NW, _NCHUNK, _CH)
    pad_n = _EPAD - _EPT
    trash = _N + (jnp.arange(pad_n, dtype=jnp.int32) % (_ACC_ROWS - _N))
    dstp = jnp.concatenate(
        [dst, jnp.broadcast_to(trash, (_NW, pad_n))], axis=1
    ).reshape(_NW, _NCHUNK, _CH)

    degp = _deg_kernel(dstp)

    hp1, dinv = pl.pallas_call(
        _tc_pre,
        out_shape=[
            jax.ShapeDtypeStruct((_N, _D), jnp.float32),
            jax.ShapeDtypeStruct((1, _N), jnp.float32),
        ],
    )(x, W1, degp)

    acc1 = _seg_kernel(hp1, srcp, dstp)

    hp2 = pl.pallas_call(
        _tc_mid,
        out_shape=jax.ShapeDtypeStruct((_N, _D), jnp.float32),
    )(acc1, hp1, dinv, b1, gamma, beta, W2)

    acc2 = _seg_kernel(hp2, srcp, dstp)

    out = pl.pallas_call(
        _tc_post,
        out_shape=jax.ShapeDtypeStruct((_N, _D), jnp.float32),
    )(acc2, hp2, dinv, b2)

    return out

# --- scband reference (transcript-rebuilt; emitter-appended) ---
"""Pipeline reference for scband-gcn-26723286515820 (READ-ONLY COPY).

The authoritative reference and input builder live on the scoring server;
editing this copy changes nothing except your own understanding.
"""

import jax, jax.numpy as jnp
import numpy as np

N = 10000
E = 320000
D = 128

def setup_inputs(seed: int = 0):
    key = jax.random.key(seed)
    k1, k2, k3, k4 = jax.random.split(key, 4)
    x = jax.random.normal(k1, (N, D), dtype=jnp.float32)
    edge_index = jax.random.randint(k2, (2, E), 0, N, dtype=jnp.int32)
    W1 = jax.random.normal(k3, (D, D), dtype=jnp.float32) * 0.05
    b1 = jnp.zeros((D,), dtype=jnp.float32)
    gamma = jnp.ones((D,), dtype=jnp.float32)
    beta = jnp.zeros((D,), dtype=jnp.float32)
    W2 = jax.random.normal(k4, (D, D), dtype=jnp.float32) * 0.05
    b2 = jnp.zeros((D,), dtype=jnp.float32)
    return {"x": x, "edge_index": edge_index, "W1": W1, "b1": b1, "gamma": gamma, "beta": beta, "W2": W2, "b2": b2}

def gcn_conv(x, edge_index, W, b):
    # GCNConv with add_self_loops + symmetric normalization (normalize=True)
    loop = jnp.arange(N, dtype=edge_index.dtype)
    src = jnp.concatenate([edge_index[0], loop])
    dst = jnp.concatenate([edge_index[1], loop])
    deg = jnp.zeros((N,), dtype=jnp.float32).at[dst].add(1.0)
    dinv = jnp.where(deg > 0, deg ** -0.5, 0.0)
    norm = dinv[src] * dinv[dst]
    h = x @ W
    msg = h[src] * norm[:, None]
    out = jnp.zeros((N, W.shape[1]), dtype=jnp.float32).at[dst].add(msg)
    return out + b

def reference(x, edge_index, W1, b1, gamma, beta, W2, b2):
    h = gcn_conv(x, edge_index, W1, b1)
    # BatchNorm1d over nodes (batch statistics, training-mode semantics)
    mean = jnp.mean(h, axis=0)
    var = jnp.var(h, axis=0)
    h = gamma * (h - mean) / jnp.sqrt(var + 1e-5) + beta
    h = jax.nn.relu(h)
    # dropout is identity in eval mode
    out = gcn_conv(h, edge_index, W2, b2)
    return out

if __name__ == "__main__":
    import jax
    _d = setup_inputs()
    print(jax.jit(kernel)(*tuple(_d.values())))

</pallas_src>

<mosaic_0001>
#map = affine_map<(d0, d1) -> (0, 0)>
#map1 = affine_map<(d0, d1) -> (0, 0, 0)>
module attributes {stable_mosaic.version = 14 : i64} {
  func.func @_seg_kernel(%arg0: i32, %arg1: i32, %arg2: memref<10000x128xf32, #tpu.memory_space<hbm>>, %arg3: memref<32x79x128xi32, #tpu.memory_space<hbm>>, %arg4: memref<32x79x128xi32, #tpu.memory_space<hbm>>, %arg5: memref<2x10240x128xf32, #tpu.memory_space<hbm>>, %arg6: memref<79x128xi32, #tpu.memory_space<vmem>>, %arg7: memref<79x128xi32, #tpu.memory_space<vmem>>, %arg8: memref<128x128xf32, #tpu.memory_space<vmem>>, %arg9: memref<10240x128xf32, #tpu.memory_space<vmem_shared>>, %arg10: memref<!tpu.dma_semaphore, #tpu.memory_space<semaphore_mem>>) attributes {dimension_semantics = [#tpu.dimension_semantics<core_parallel>, #tpu.dimension_semantics<subcore_parallel>], iteration_bounds = array<i64: 2, 16>, scalar_prefetch = 0 : i64, scratch_operands = 5 : i64, tpu.core_type = #tpu.core_type<sc_vector_subcore>, window_params = [{transform_indices = #map}, {transform_indices = #map1}, {transform_indices = #map1}, {transform_indices = #map1}]} {
    %mul3A = arith.constant 16 : i32
    %mul3A_0 = arith.muli %arg0, %mul3A : i32
    %add3A = arith.addi %mul3A_0, %arg1 : i32
    %scan3A = arith.constant 0 : i32
    %scan3A_1 = arith.constant 128 : i32
    %scan3A_2 = arith.addi %scan3A, %scan3A_1 : i32
    %scan3A_3 = arith.constant 1 : i32
    scf.for %scan3A_24 = %scan3A to %scan3A_2 step %scan3A_3  : i32 {
      %mul3A_25 = arith.constant 1 : i32
      %mul3A_26 = arith.muli %scan3A_24, %mul3A_25 : i32
      %add3A_27 = arith.constant 0 : i32
      %add3A_28 = arith.addi %add3A_27, %mul3A_26 : i32
      %broadcast_in_dim3A = arith.constant 0.000000e+00 : f32
      %broadcast_in_dim3A_29 = vector.broadcast %broadcast_in_dim3A : f32 to vector<16xf32>
      %swap3A = arith.index_cast %add3A_28 : i32 to index
      %swap3A_30 = arith.constant 0 : index
      %swap3A_31 = tpu.vector_load %arg8[%swap3A, %swap3A_30] {strides = array<i32>} : memref<128x128xf32, #tpu.memory_space<vmem>>, vector<1x16xf32>,
      %swap3A_32 = vector.shape_cast %swap3A_31 : vector<1x16xf32> to vector<16xf32>
      %swap3A_33 = vector.shape_cast %broadcast_in_dim3A_29 : vector<16xf32> to vector<1x16xf32>
      tpu.vector_store %arg8[%swap3A, %swap3A_30], %swap3A_33 {strides = array<i32>} : memref<128x128xf32, #tpu.memory_space<vmem>>, vector<1x16xf32>,
      %broadcast_in_dim3A_34 = arith.constant 0.000000e+00 : f32
      %broadcast_in_dim3A_35 = vector.broadcast %broadcast_in_dim3A_34 : f32 to vector<16xf32>
      %swap3A_36 = arith.index_cast %add3A_28 : i32 to index
      %swap3A_37 = arith.constant 16 : index
      %swap3A_38 = tpu.vector_load %arg8[%swap3A_36, %swap3A_37] {strides = array<i32>} : memref<128x128xf32, #tpu.memory_space<vmem>>, vector<1x16xf32>,
      %swap3A_39 = vector.shape_cast %swap3A_38 : vector<1x16xf32> to vector<16xf32>
      %swap3A_40 = vector.shape_cast %broadcast_in_dim3A_35 : vector<16xf32> to vector<1x16xf32>
      tpu.vector_store %arg8[%swap3A_36, %swap3A_37], %swap3A_40 {strides = array<i32>} : memref<128x128xf32, #tpu.memory_space<vmem>>, vector<1x16xf32>,
      %broadcast_in_dim3A_41 = arith.constant 0.000000e+00 : f32
      %broadcast_in_dim3A_42 = vector.broadcast %broadcast_in_dim3A_41 : f32 to vector<16xf32>
      %swap3A_43 = arith.index_cast %add3A_28 : i32 to index
      %swap3A_44 = arith.constant 32 : index
      %swap3A_45 = tpu.vector_load %arg8[%swap3A_43, %swap3A_44] {strides = array<i32>} : memref<128x128xf32, #tpu.memory_space<vmem>>, vector<1x16xf32>,
      %swap3A_46 = vector.shape_cast %swap3A_45 : vector<1x16xf32> to vector<16xf32>
      %swap3A_47 = vector.shape_cast %broadcast_in_dim3A_42 : vector<16xf32> to vector<1x16xf32>
      tpu.vector_store %arg8[%swap3A_43, %swap3A_44], %swap3A_47 {strides = array<i32>} : memref<128x128xf32, #tpu.memory_space<vmem>>, vector<1x16xf32>,
      %broadcast_in_dim3A_48 = arith.constant 0.000000e+00 : f32
      %broadcast_in_dim3A_49 = vector.broadcast %broadcast_in_dim3A_48 : f32 to vector<16xf32>
      %swap3A_50 = arith.index_cast %add3A_28 : i32 to index
      %swap3A_51 = arith.constant 48 : index
      %swap3A_52 = tpu.vector_load %arg8[%swap3A_50, %swap3A_51] {strides = array<i32>} : memref<128x128xf32, #tpu.memory_space<vmem>>, vector<1x16xf32>,
      %swap3A_53 = vector.shape_cast %swap3A_52 : vector<1x16xf32> to vector<16xf32>
      %swap3A_54 = vector.shape_cast %broadcast_in_dim3A_49 : vector<16xf32> to vector<1x16xf32>
      tpu.vector_store %arg8[%swap3A_50, %swap3A_51], %swap3A_54 {strides = array<i32>} : memref<128x128xf32, #tpu.memory_space<vmem>>, vector<1x16xf32>,
      %broadcast_in_dim3A_55 = arith.constant 0.000000e+00 : f32
      %broadcast_in_dim3A_56 = vector.broadcast %broadcast_in_dim3A_55 : f32 to vector<16xf32>
      %swap3A_57 = arith.index_cast %add3A_28 : i32 to index
      %swap3A_58 = arith.constant 64 : index
      %swap3A_59 = tpu.vector_load %arg8[%swap3A_57, %swap3A_58] {strides = array<i32>} : memref<128x128xf32, #tpu.memory_space<vmem>>, vector<1x16xf32>,
      %swap3A_60 = vector.shape_cast %swap3A_59 : vector<1x16xf32> to vector<16xf32>
      %swap3A_61 = vector.shape_cast %broadcast_in_dim3A_56 : vector<16xf32> to vector<1x16xf32>
      tpu.vector_store %arg8[%swap3A_57, %swap3A_58], %swap3A_61 {strides = array<i32>} : memref<128x128xf32, #tpu.memory_space<vmem>>, vector<1x16xf32>,
      %broadcast_in_dim3A_62 = arith.constant 0.000000e+00 : f32
      %broadcast_in_dim3A_63 = vector.broadcast %broadcast_in_dim3A_62 : f32 to vector<16xf32>
      %swap3A_64 = arith.index_cast %add3A_28 : i32 to index
      %swap3A_65 = arith.constant 80 : index
      %swap3A_66 = tpu.vector_load %arg8[%swap3A_64, %swap3A_65] {strides = array<i32>} : memref<128x128xf32, #tpu.memory_space<vmem>>, vector<1x16xf32>,
      %swap3A_67 = vector.shape_cast %swap3A_66 : vector<1x16xf32> to vector<16xf32>
      %swap3A_68 = vector.shape_cast %broadcast_in_dim3A_63 : vector<16xf32> to vector<1x16xf32>
      tpu.vector_store %arg8[%swap3A_64, %swap3A_65], %swap3A_68 {strides = array<i32>} : memref<128x128xf32, #tpu.memory_space<vmem>>, vector<1x16xf32>,
      %broadcast_in_dim3A_69 = arith.constant 0.000000e+00 : f32
      %broadcast_in_dim3A_70 = vector.broadcast %broadcast_in_dim3A_69 : f32 to vector<16xf32>
      %swap3A_71 = arith.index_cast %add3A_28 : i32 to index
      %swap3A_72 = arith.constant 96 : index
      %swap3A_73 = tpu.vector_load %arg8[%swap3A_71, %swap3A_72] {strides = array<i32>} : memref<128x128xf32, #tpu.memory_space<vmem>>, vector<1x16xf32>,
      %swap3A_74 = vector.shape_cast %swap3A_73 : vector<1x16xf32> to vector<16xf32>
      %swap3A_75 = vector.shape_cast %broadcast_in_dim3A_70 : vector<16xf32> to vector<1x16xf32>
      tpu.vector_store %arg8[%swap3A_71, %swap3A_72], %swap3A_75 {strides = array<i32>} : memref<128x128xf32, #tpu.memory_space<vmem>>, vector<1x16xf32>,
      %broadcast_in_dim3A_76 = arith.constant 0.000000e+00 : f32
      %broadcast_in_dim3A_77 = vector.broadcast %broadcast_in_dim3A_76 : f32 to vector<16xf32>
      %swap3A_78 = arith.index_cast %add3A_28 : i32 to index
      %swap3A_79 = arith.constant 112 : index
      %swap3A_80 = tpu.vector_load %arg8[%swap3A_78, %swap3A_79] {strides = array<i32>} : memref<128x128xf32, #tpu.memory_space<vmem>>, vector<1x16xf32>,
      %swap3A_81 = vector.shape_cast %swap3A_80 : vector<1x16xf32> to vector<16xf32>
      %swap3A_82 = vector.shape_cast %broadcast_in_dim3A_77 : vector<16xf32> to vector<1x16xf32>
      tpu.vector_store %arg8[%swap3A_78, %swap3A_79], %swap3A_82 {strides = array<i32>} : memref<128x128xf32, #tpu.memory_space<vmem>>, vector<1x16xf32>,
    }
    %scan3A_4 = arith.constant 128 : i32
    %mul3A_5 = arith.constant 640 : i32
    %mul3A_6 = arith.muli %arg1, %mul3A_5 : i32
    %add3A_7 = arith.constant 0 : i32
    %add3A_8 = arith.addi %mul3A_6, %add3A_7 : i32
    "tpu.region"() ({
      %run_scoped3A = tpu.sem_alloc : memref<!tpu.dma_semaphore, #tpu.memory_space<semaphore_mem>>
      %dma_start3A = arith.constant 0 : i32
      %dma_start3A_24 = tpu.memref_slice %arg9[%add3A_8, %dma_start3A] : memref<10240x128xf32, #tpu.memory_space<vmem_shared>> -> memref<128x128xf32, #tpu.memory_space<vmem_shared>>
      %dma_start3A_25 = arith.constant 0 : i32
      %dma_start3A_26 = tpu.memref_slice %arg9[%add3A_8, %dma_start3A_25] : memref<10240x128xf32, #tpu.memory_space<vmem_shared>> -> memref<128x128xf32, #tpu.memory_space<vmem_shared>>
      tpu.enqueue_dma source(%arg8 : memref<128x128xf32, #tpu.memory_space<vmem>>) target(%dma_start3A_26 : memref<128x128xf32, #tpu.memory_space<vmem_shared>>) target_semaphore(%run_scoped3A : memref<!tpu.dma_semaphore, #tpu.memory_space<semaphore_mem>>)
      %dma_wait3A = arith.constant 0 : i32
      %dma_wait3A_27 = tpu.memref_slice %arg9[%add3A_8, %dma_wait3A] : memref<10240x128xf32, #tpu.memory_space<vmem_shared>> -> memref<128x128xf32, #tpu.memory_space<vmem_shared>>
      %dma_wait3A_28 = arith.constant 0 : i32
      %dma_wait3A_29 = tpu.memref_slice %arg9[%add3A_8, %dma_wait3A_28] : memref<10240x128xf32, #tpu.memory_space<vmem_shared>> -> memref<128x128xf32, #tpu.memory_space<vmem_shared>>
      tpu.wait_dma2 semaphore(%run_scoped3A : memref<!tpu.dma_semaphore, #tpu.memory_space<semaphore_mem>>) src(%arg8 : memref<128x128xf32, #tpu.memory_space<vmem>>) dst(%dma_wait3A_29 : memref<128x128xf32, #tpu.memory_space<vmem_shared>>)
      tpu.yield
    }) : () -> ()
    %add3A_9 = arith.constant 128 : i32
    %add3A_10 = arith.addi %mul3A_6, %add3A_9 : i32
    "tpu.region"() ({
      %run_scoped3A = tpu.sem_alloc : memref<!tpu.dma_semaphore, #tpu.memory_space<semaphore_mem>>
      %dma_start3A = arith.constant 0 : i32
      %dma_start3A_24 = tpu.memref_slice %arg9[%add3A_10, %dma_start3A] : memref<10240x128xf32, #tpu.memory_space<vmem_shared>> -> memref<128x128xf32, #tpu.memory_space<vmem_shared>>
      %dma_start3A_25 = arith.constant 0 : i32
      %dma_start3A_26 = tpu.memref_slice %arg9[%add3A_10, %dma_start3A_25] : memref<10240x128xf32, #tpu.memory_space<vmem_shared>> -> memref<128x128xf32, #tpu.memory_space<vmem_shared>>
      tpu.enqueue_dma source(%arg8 : memref<128x128xf32, #tpu.memory_space<vmem>>) target(%dma_start3A_26 : memref<128x128xf32, #tpu.memory_space<vmem_shared>>) target_semaphore(%run_scoped3A : memref<!tpu.dma_semaphore, #tpu.memory_space<semaphore_mem>>)
      %dma_wait3A = arith.constant 0 : i32
      %dma_wait3A_27 = tpu.memref_slice %arg9[%add3A_10, %dma_wait3A] : memref<10240x128xf32, #tpu.memory_space<vmem_shared>> -> memref<128x128xf32, #tpu.memory_space<vmem_shared>>
      %dma_wait3A_28 = arith.constant 0 : i32
      %dma_wait3A_29 = tpu.memref_slice %arg9[%add3A_10, %dma_wait3A_28] : memref<10240x128xf32, #tpu.memory_space<vmem_shared>> -> memref<128x128xf32, #tpu.memory_space<vmem_shared>>
      tpu.wait_dma2 semaphore(%run_scoped3A : memref<!tpu.dma_semaphore, #tpu.memory_space<semaphore_mem>>) src(%arg8 : memref<128x128xf32, #tpu.memory_space<vmem>>) dst(%dma_wait3A_29 : memref<128x128xf32, #tpu.memory_space<vmem_shared>>)
      tpu.yield
    }) : () -> ()
    %add3A_11 = arith.constant 256 : i32
    %add3A_12 = arith.addi %mul3A_6, %add3A_11 : i32
    "tpu.region"() ({
      %run_scoped3A = tpu.sem_alloc : memref<!tpu.dma_semaphore, #tpu.memory_space<semaphore_mem>>
      %dma_start3A = arith.constant 0 : i32
      %dma_start3A_24 = tpu.memref_slice %arg9[%add3A_12, %dma_start3A] : memref<10240x128xf32, #tpu.memory_space<vmem_shared>> -> memref<128x128xf32, #tpu.memory_space<vmem_shared>>
      %dma_start3A_25 = arith.constant 0 : i32
      %dma_start3A_26 = tpu.memref_slice %arg9[%add3A_12, %dma_start3A_25] : memref<10240x128xf32, #tpu.memory_space<vmem_shared>> -> memref<128x128xf32, #tpu.memory_space<vmem_shared>>
      tpu.enqueue_dma source(%arg8 : memref<128x128xf32, #tpu.memory_space<vmem>>) target(%dma_start3A_26 : memref<128x128xf32, #tpu.memory_space<vmem_shared>>) target_semaphore(%run_scoped3A : memref<!tpu.dma_semaphore, #tpu.memory_space<semaphore_mem>>)
      %dma_wait3A = arith.constant 0 : i32
      %dma_wait3A_27 = tpu.memref_slice %arg9[%add3A_12, %dma_wait3A] : memref<10240x128xf32, #tpu.memory_space<vmem_shared>> -> memref<128x128xf32, #tpu.memory_space<vmem_shared>>
      %dma_wait3A_28 = arith.constant 0 : i32
      %dma_wait3A_29 = tpu.memref_slice %arg9[%add3A_12, %dma_wait3A_28] : memref<10240x128xf32, #tpu.memory_space<vmem_shared>> -> memref<128x128xf32, #tpu.memory_space<vmem_shared>>
      tpu.wait_dma2 semaphore(%run_scoped3A : memref<!tpu.dma_semaphore, #tpu.memory_space<semaphore_mem>>) src(%arg8 : memref<128x128xf32, #tpu.memory_space<vmem>>) dst(%dma_wait3A_29 : memref<128x128xf32, #tpu.memory_space<vmem_shared>>)
      tpu.yield
    }) : () -> ()
    %add3A_13 = arith.constant 384 : i32
    %add3A_14 = arith.addi %mul3A_6, %add3A_13 : i32
    "tpu.region"() ({
      %run_scoped3A = tpu.sem_alloc : memref<!tpu.dma_semaphore, #tpu.memory_space<semaphore_mem>>
      %dma_start3A = arith.constant 0 : i32
      %dma_start3A_24 = tpu.memref_slice %arg9[%add3A_14, %dma_start3A] : memref<10240x128xf32, #tpu.memory_space<vmem_shared>> -> memref<128x128xf32, #tpu.memory_space<vmem_shared>>
      %dma_start3A_25 = arith.constant 0 : i32
      %dma_start3A_26 = tpu.memref_slice %arg9[%add3A_14, %dma_start3A_25] : memref<10240x128xf32, #tpu.memory_space<vmem_shared>> -> memref<128x128xf32, #tpu.memory_space<vmem_shared>>
      tpu.enqueue_dma source(%arg8 : memref<128x128xf32, #tpu.memory_space<vmem>>) target(%dma_start3A_26 : memref<128x128xf32, #tpu.memory_space<vmem_shared>>) target_semaphore(%run_scoped3A : memref<!tpu.dma_semaphore, #tpu.memory_space<semaphore_mem>>)
      %dma_wait3A = arith.constant 0 : i32
      %dma_wait3A_27 = tpu.memref_slice %arg9[%add3A_14, %dma_wait3A] : memref<10240x128xf32, #tpu.memory_space<vmem_shared>> -> memref<128x128xf32, #tpu.memory_space<vmem_shared>>
      %dma_wait3A_28 = arith.constant 0 : i32
      %dma_wait3A_29 = tpu.memref_slice %arg9[%add3A_14, %dma_wait3A_28] : memref<10240x128xf32, #tpu.memory_space<vmem_shared>> -> memref<128x128xf32, #tpu.memory_space<vmem_shared>>
      tpu.wait_dma2 semaphore(%run_scoped3A : memref<!tpu.dma_semaphore, #tpu.memory_space<semaphore_mem>>) src(%arg8 : memref<128x128xf32, #tpu.memory_space<vmem>>) dst(%dma_wait3A_29 : memref<128x128xf32, #tpu.memory_space<vmem_shared>>)
      tpu.yield
    }) : () -> ()
    %add3A_15 = arith.constant 512 : i32
    %add3A_16 = arith.addi %mul3A_6, %add3A_15 : i32
    "tpu.region"() ({
      %run_scoped3A = tpu.sem_alloc : memref<!tpu.dma_semaphore, #tpu.memory_space<semaphore_mem>>
      %dma_start3A = arith.constant 0 : i32
      %dma_start3A_24 = tpu.memref_slice %arg9[%add3A_16, %dma_start3A] : memref<10240x128xf32, #tpu.memory_space<vmem_shared>> -> memref<128x128xf32, #tpu.memory_space<vmem_shared>>
      %dma_start3A_25 = arith.constant 0 : i32
      %dma_start3A_26 = tpu.memref_slice %arg9[%add3A_16, %dma_start3A_25] : memref<10240x128xf32, #tpu.memory_space<vmem_shared>> -> memref<128x128xf32, #tpu.memory_space<vmem_shared>>
      tpu.enqueue_dma source(%arg8 : memref<128x128xf32, #tpu.memory_space<vmem>>) target(%dma_start3A_26 : memref<128x128xf32, #tpu.memory_space<vmem_shared>>) target_semaphore(%run_scoped3A : memref<!tpu.dma_semaphore, #tpu.memory_space<semaphore_mem>>)
      %dma_wait3A = arith.constant 0 : i32
      %dma_wait3A_27 = tpu.memref_slice %arg9[%add3A_16, %dma_wait3A] : memref<10240x128xf32, #tpu.memory_space<vmem_shared>> -> memref<128x128xf32, #tpu.memory_space<vmem_shared>>
      %dma_wait3A_28 = arith.constant 0 : i32
      %dma_wait3A_29 = tpu.memref_slice %arg9[%add3A_16, %dma_wait3A_28] : memref<10240x128xf32, #tpu.memory_space<vmem_shared>> -> memref<128x128xf32, #tpu.memory_space<vmem_shared>>
      tpu.wait_dma2 semaphore(%run_scoped3A : memref<!tpu.dma_semaphore, #tpu.memory_space<semaphore_mem>>) src(%arg8 : memref<128x128xf32, #tpu.memory_space<vmem>>) dst(%dma_wait3A_29 : memref<128x128xf32, #tpu.memory_space<vmem_shared>>)
      tpu.yield
    }) : () -> ()
    %barrier3A = arith.constant 0 : index
    tpu.barrier barrier_id(%barrier3A)
    "tpu.region"() ({
      %run_scoped3A = tpu.sem_alloc : memref<!tpu.dma_semaphore, #tpu.memory_space<semaphore_mem>>
      %dma_start3A = arith.constant 0 : i32
      %dma_start3A_24 = arith.constant 0 : i32
      %dma_start3A_25 = tpu.memref_slice %arg4[%add3A, %dma_start3A, %dma_start3A_24] : memref<32x79x128xi32, #tpu.memory_space<hbm>> -> memref<1x79x128xi32, #tpu.memory_space<hbm>>
      %dma_start3A_26 = tpu.memref_squeeze %dma_start3A_25 : memref<1x79x128xi32, #tpu.memory_space<hbm>> -> memref<79x128xi32, #tpu.memory_space<hbm>>
      %dma_start3A_27 = arith.constant 0 : i32
      %dma_start3A_28 = arith.constant 0 : i32
      %dma_start3A_29 = tpu.memref_slice %arg4[%add3A, %dma_start3A_27, %dma_start3A_28] : memref<32x79x128xi32, #tpu.memory_space<hbm>> -> memref<1x79x128xi32, #tpu.memory_space<hbm>>
      %dma_start3A_30 = tpu.memref_squeeze %dma_start3A_29 : memref<1x79x128xi32, #tpu.memory_space<hbm>> -> memref<79x128xi32, #tpu.memory_space<hbm>>
      tpu.enqueue_dma source(%dma_start3A_30 : memref<79x128xi32, #tpu.memory_space<hbm>>) target(%arg7 : memref<79x128xi32, #tpu.memory_space<vmem>>) target_semaphore(%run_scoped3A : memref<!tpu.dma_semaphore, #tpu.memory_space<semaphore_mem>>)
      %dma_wait3A = arith.constant 0 : i32
      %dma_wait3A_31 = arith.constant 0 : i32
      %dma_wait3A_32 = tpu.memref_slice %arg4[%add3A, %dma_wait3A, %dma_wait3A_31] : memref<32x79x128xi32, #tpu.memory_space<hbm>> -> memref<1x79x128xi32, #tpu.memory_space<hbm>>
      %dma_wait3A_33 = tpu.memref_squeeze %dma_wait3A_32 : memref<1x79x128xi32, #tpu.memory_space<hbm>> -> memref<79x128xi32, #tpu.memory_space<hbm>>
      %dma_wait3A_34 = arith.constant 0 : i32
      %dma_wait3A_35 = arith.constant 0 : i32
      %dma_wait3A_36 = tpu.memref_slice %arg4[%add3A, %dma_wait3A_34, %dma_wait3A_35] : memref<32x79x128xi32, #tpu.memory_space<hbm>> -> memref<1x79x128xi32, #tpu.memory_space<hbm>>
      %dma_wait3A_37 = tpu.memref_squeeze %dma_wait3A_36 : memref<1x79x128xi32, #tpu.memory_space<hbm>> -> memref<79x128xi32, #tpu.memory_space<hbm>>
      tpu.wait_dma2 semaphore(%run_scoped3A : memref<!tpu.dma_semaphore, #tpu.memory_space<semaphore_mem>>) src(%dma_wait3A_37 : memref<79x128xi32, #tpu.memory_space<hbm>>) dst(%arg7 : memref<79x128xi32, #tpu.memory_space<vmem>>)
      tpu.yield
    }) : () -> ()
    "tpu.region"() ({
      %run_scoped3A = tpu.sem_alloc : memref<!tpu.dma_semaphore, #tpu.memory_space<semaphore_mem>>
      %dma_start3A = arith.constant 0 : i32
      %dma_start3A_24 = arith.constant 0 : i32
      %dma_start3A_25 = tpu.memref_slice %arg3[%add3A, %dma_start3A, %dma_start3A_24] : memref<32x79x128xi32, #tpu.memory_space<hbm>> -> memref<1x79x128xi32, #tpu.memory_space<hbm>>
      %dma_start3A_26 = tpu.memref_squeeze %dma_start3A_25 : memref<1x79x128xi32, #tpu.memory_space<hbm>> -> memref<79x128xi32, #tpu.memory_space<hbm>>
      %dma_start3A_27 = arith.constant 0 : i32
      %dma_start3A_28 = arith.constant 0 : i32
      %dma_start3A_29 = tpu.memref_slice %arg3[%add3A, %dma_start3A_27, %dma_start3A_28] : memref<32x79x128xi32, #tpu.memory_space<hbm>> -> memref<1x79x128xi32, #tpu.memory_space<hbm>>
      %dma_start3A_30 = tpu.memref_squeeze %dma_start3A_29 : memref<1x79x128xi32, #tpu.memory_space<hbm>> -> memref<79x128xi32, #tpu.memory_space<hbm>>
      tpu.enqueue_dma source(%dma_start3A_30 : memref<79x128xi32, #tpu.memory_space<hbm>>) target(%arg6 : memref<79x128xi32, #tpu.memory_space<vmem>>) target_semaphore(%run_scoped3A : memref<!tpu.dma_semaphore, #tpu.memory_space<semaphore_mem>>)
      %dma_wait3A = arith.constant 0 : i32
      %dma_wait3A_31 = arith.constant 0 : i32
      %dma_wait3A_32 = tpu.memref_slice %arg3[%add3A, %dma_wait3A, %dma_wait3A_31] : memref<32x79x128xi32, #tpu.memory_space<hbm>> -> memref<1x79x128xi32, #tpu.memory_space<hbm>>
      %dma_wait3A_33 = tpu.memref_squeeze %dma_wait3A_32 : memref<1x79x128xi32, #tpu.memory_space<hbm>> -> memref<79x128xi32, #tpu.memory_space<hbm>>
      %dma_wait3A_34 = arith.constant 0 : i32
      %dma_wait3A_35 = arith.constant 0 : i32
      %dma_wait3A_36 = tpu.memref_slice %arg3[%add3A, %dma_wait3A_34, %dma_wait3A_35] : memref<32x79x128xi32, #tpu.memory_space<hbm>> -> memref<1x79x128xi32, #tpu.memory_space<hbm>>
      %dma_wait3A_37 = tpu.memref_squeeze %dma_wait3A_36 : memref<1x79x128xi32, #tpu.memory_space<hbm>> -> memref<79x128xi32, #tpu.memory_space<hbm>>
      tpu.wait_dma2 semaphore(%run_scoped3A : memref<!tpu.dma_semaphore, #tpu.memory_space<semaphore_mem>>) src(%dma_wait3A_37 : memref<79x128xi32, #tpu.memory_space<hbm>>) dst(%arg6 : memref<79x128xi32, #tpu.memory_space<vmem>>)
      tpu.yield
    }) : () -> ()
    %parallel_loop3A = arith.constant 0 : i32
    %parallel_loop3A_17 = arith.constant 79 : i32
    %parallel_loop3A_18 = arith.constant 1 : i32
    scf.for %parallel_loop3A_24 = %parallel_loop3A to %parallel_loop3A_17 step %parallel_loop3A_18  : i32 {
      %parallel_loop3A_25 = arith.constant 0 : i32
      %parallel_loop3A_26 = tpu.memref_slice %arg6[%parallel_loop3A_24, %parallel_loop3A_25] : memref<79x128xi32, #tpu.memory_space<vmem>> -> memref<1x128xi32, #tpu.memory_space<vmem>>
      %parallel_loop3A_27 = tpu.memref_squeeze %parallel_loop3A_26 : memref<1x128xi32, #tpu.memory_space<vmem>> -> memref<128xi32, #tpu.memory_space<vmem>>
      %parallel_loop3A_28 = arith.constant 0 : i32
      %parallel_loop3A_29 = arith.constant 0 : i32
      %parallel_loop3A_30 = tpu.memref_slice %arg2[%parallel_loop3A_28, %parallel_loop3A_29] : memref<10000x128xf32, #tpu.memory_space<hbm>> -> memref<10000x128xf32, #tpu.memory_space<hbm>>
      tpu.enqueue_indirect_dma source(%parallel_loop3A_30 : memref<10000x128xf32, #tpu.memory_space<hbm>>) target(%arg8 : memref<128x128xf32, #tpu.memory_space<vmem>>) offsets(%parallel_loop3A_27 : memref<128xi32, #tpu.memory_space<vmem>>) semaphore(%arg10 : memref<!tpu.dma_semaphore, #tpu.memory_space<semaphore_mem>>)
      %parallel_loop3A_31 = arith.constant 0 : i32
      %parallel_loop3A_32 = tpu.memref_slice %arg6[%parallel_loop3A_24, %parallel_loop3A_31] : memref<79x128xi32, #tpu.memory_space<vmem>> -> memref<1x128xi32, #tpu.memory_space<vmem>>
      %parallel_loop3A_33 = tpu.memref_squeeze %parallel_loop3A_32 : memref<1x128xi32, #tpu.memory_space<vmem>> -> memref<128xi32, #tpu.memory_space<vmem>>
      %parallel_loop3A_34 = arith.constant 0 : i32
      %parallel_loop3A_35 = arith.constant 0 : i32
      %parallel_loop3A_36 = tpu.memref_slice %arg2[%parallel_loop3A_34, %parallel_loop3A_35] : memref<10000x128xf32, #tpu.memory_space<hbm>> -> memref<10000x128xf32, #tpu.memory_space<hbm>>
      tpu.wait_indirect_dma semaphore(%arg10 : memref<!tpu.dma_semaphore, #tpu.memory_space<semaphore_mem>>) src(%parallel_loop3A_36 : memref<10000x128xf32, #tpu.memory_space<hbm>>) dst(%arg8 : memref<128x128xf32, #tpu.memory_space<vmem>>)
      "tpu.region"() ({
        %parallel_loop3A_37 = tpu.sem_alloc : memref<!tpu.dma_semaphore, #tpu.memory_space<semaphore_mem>>
        %parallel_loop3A_38 = arith.constant 0 : i32
        %parallel_loop3A_39 = tpu.memref_slice %arg7[%parallel_loop3A_24, %parallel_loop3A_38] : memref<79x128xi32, #tpu.memory_space<vmem>> -> memref<1x128xi32, #tpu.memory_space<vmem>>
        %parallel_loop3A_40 = tpu.memref_squeeze %parallel_loop3A_39 : memref<1x128xi32, #tpu.memory_space<vmem>> -> memref<128xi32, #tpu.memory_space<vmem>>
        %parallel_loop3A_41 = arith.constant 0 : i32
        %parallel_loop3A_42 = arith.constant 0 : i32
        %parallel_loop3A_43 = tpu.memref_slice %arg9[%parallel_loop3A_41, %parallel_loop3A_42] : memref<10240x128xf32, #tpu.memory_space<vmem_shared>> -> memref<10240x128xf32, #tpu.memory_space<vmem_shared>>
        tpu.enqueue_indirect_dma source(%arg8 : memref<128x128xf32, #tpu.memory_space<vmem>>) target(%parallel_loop3A_43 : memref<10240x128xf32, #tpu.memory_space<vmem_shared>>) offsets(%parallel_loop3A_40 : memref<128xi32, #tpu.memory_space<vmem>>) semaphore(%parallel_loop3A_37 : memref<!tpu.dma_semaphore, #tpu.memory_space<semaphore_mem>>) {add = true}
        %parallel_loop3A_44 = arith.constant 0 : i32
        %parallel_loop3A_45 = tpu.memref_slice %arg7[%parallel_loop3A_24, %parallel_loop3A_44] : memref<79x128xi32, #tpu.memory_space<vmem>> -> memref<1x128xi32, #tpu.memory_space<vmem>>
        %parallel_loop3A_46 = tpu.memref_squeeze %parallel_loop3A_45 : memref<1x128xi32, #tpu.memory_space<vmem>> -> memref<128xi32, #tpu.memory_space<vmem>>
        %parallel_loop3A_47 = arith.constant 0 : i32
        %parallel_loop3A_48 = arith.constant 0 : i32
        %parallel_loop3A_49 = tpu.memref_slice %arg9[%parallel_loop3A_47, %parallel_loop3A_48] : memref<10240x128xf32, #tpu.memory_space<vmem_shared>> -> memref<10240x128xf32, #tpu.memory_space<vmem_shared>>
        tpu.wait_indirect_dma semaphore(%parallel_loop3A_37 : memref<!tpu.dma_semaphore, #tpu.memory_space<semaphore_mem>>) src(%arg8 : memref<128x128xf32, #tpu.memory_space<vmem>>) dst(%parallel_loop3A_49 : memref<10240x128xf32, #tpu.memory_space<vmem_shared>>)
        tpu.yield
      }) : () -> ()
    } {sc.loop_unroll_factor = 2 : i64, sc.parallel_access}
    %barrier3A_19 = arith.constant 0 : index
    tpu.barrier barrier_id(%barrier3A_19)
    %mul3A_20 = arith.constant 640 : i32
    %mul3A_21 = arith.muli %arg1, %mul3A_20 : i32
    %mul3A_22 = arith.constant 640 : i32
    %mul3A_23 = arith.muli %arg1, %mul3A_22 : i32
    "tpu.region"() ({
      %run_scoped3A = tpu.sem_alloc : memref<!tpu.dma_semaphore, #tpu.memory_space<semaphore_mem>>
      %dma_start3A = arith.constant 0 : i32
      %dma_start3A_24 = tpu.memref_slice %arg5[%arg0, %mul3A_23, %dma_start3A] : memref<2x10240x128xf32, #tpu.memory_space<hbm>> -> memref<1x640x128xf32, #tpu.memory_space<hbm>>
      %dma_start3A_25 = tpu.memref_squeeze %dma_start3A_24 : memref<1x640x128xf32, #tpu.memory_space<hbm>> -> memref<640x128xf32, #tpu.memory_space<hbm>>
      %dma_start3A_26 = arith.constant 0 : i32
      %dma_start3A_27 = tpu.memref_slice %arg9[%mul3A_21, %dma_start3A_26] : memref<10240x128xf32, #tpu.memory_space<vmem_shared>> -> memref<640x128xf32, #tpu.memory_space<vmem_shared>>
      tpu.enqueue_dma source(%dma_start3A_27 : memref<640x128xf32, #tpu.memory_space<vmem_shared>>) target(%dma_start3A_25 : memref<640x128xf32, #tpu.memory_space<hbm>>) target_semaphore(%run_scoped3A : memref<!tpu.dma_semaphore, #tpu.memory_space<semaphore_mem>>)
      %dma_wait3A = arith.constant 0 : i32
      %dma_wait3A_28 = tpu.memref_slice %arg5[%arg0, %mul3A_23, %dma_wait3A] : memref<2x10240x128xf32, #tpu.memory_space<hbm>> -> memref<1x640x128xf32, #tpu.memory_space<hbm>>
      %dma_wait3A_29 = tpu.memref_squeeze %dma_wait3A_28 : memref<1x640x128xf32, #tpu.memory_space<hbm>> -> memref<640x128xf32, #tpu.memory_space<hbm>>
      %dma_wait3A_30 = arith.constant 0 : i32
      %dma_wait3A_31 = tpu.memref_slice %arg9[%mul3A_21, %dma_wait3A_30] : memref<10240x128xf32, #tpu.memory_space<vmem_shared>> -> memref<640x128xf32, #tpu.memory_space<vmem_shared>>
      tpu.wait_dma2 semaphore(%run_scoped3A : memref<!tpu.dma_semaphore, #tpu.memory_space<semaphore_mem>>) src(%dma_wait3A_31 : memref<640x128xf32, #tpu.memory_space<vmem_shared>>) dst(%dma_wait3A_29 : memref<640x128xf32, #tpu.memory_space<hbm>>)
      tpu.yield
    }) : () -> ()
    return
  }
}

#map = affine_map<(d0, d1) -> (0, 0, 0)>
module attributes {stable_mosaic.version = 14 : i64} {
  func.func @_deg_kernel(%arg0: i32, %arg1: i32, %arg2: memref<32x79x128xi32, #tpu.memory_space<hbm>>, %arg3: memref<2x10240x128xf32, #tpu.memory_space<hbm>>, %arg4: memref<79x128xi32, #tpu.memory_space<vmem>>, %arg5: memref<128x128xf32, #tpu.memory_space<vmem>>, %arg6: memref<10240x128xf32, #tpu.memory_space<vmem_shared>>) attributes {dimension_semantics = [#tpu.dimension_semantics<core_parallel>, #tpu.dimension_semantics<subcore_parallel>], iteration_bounds = array<i64: 2, 16>, scalar_prefetch = 0 : i64, scratch_operands = 3 : i64, tpu.core_type = #tpu.core_type<sc_vector_subcore>, window_params = [{transform_indices = #map}, {transform_indices = #map}]} {
    %mul3A = arith.constant 16 : i32
    %mul3A_0 = arith.muli %arg0, %mul3A : i32
    %add3A = arith.addi %mul3A_0, %arg1 : i32
    %scan3A = arith.constant 0 : i32
    %scan3A_1 = arith.constant 128 : i32
    %scan3A_2 = arith.addi %scan3A, %scan3A_1 : i32
    %scan3A_3 = arith.constant 1 : i32
    scf.for %scan3A_32 = %scan3A to %scan3A_2 step %scan3A_3  : i32 {
      %mul3A_33 = arith.constant 1 : i32
      %mul3A_34 = arith.muli %scan3A_32, %mul3A_33 : i32
      %add3A_35 = arith.constant 0 : i32
      %add3A_36 = arith.addi %add3A_35, %mul3A_34 : i32
      %broadcast_in_dim3A = arith.constant 0.000000e+00 : f32
      %broadcast_in_dim3A_37 = vector.broadcast %broadcast_in_dim3A : f32 to vector<16xf32>
      %swap3A = arith.index_cast %add3A_36 : i32 to index
      %swap3A_38 = arith.constant 0 : index
      %swap3A_39 = tpu.vector_load %arg5[%swap3A, %swap3A_38] {strides = array<i32>} : memref<128x128xf32, #tpu.memory_space<vmem>>, vector<1x16xf32>,
      %swap3A_40 = vector.shape_cast %swap3A_39 : vector<1x16xf32> to vector<16xf32>
      %swap3A_41 = vector.shape_cast %broadcast_in_dim3A_37 : vector<16xf32> to vector<1x16xf32>
      tpu.vector_store %arg5[%swap3A, %swap3A_38], %swap3A_41 {strides = array<i32>} : memref<128x128xf32, #tpu.memory_space<vmem>>, vector<1x16xf32>,
      %broadcast_in_dim3A_42 = arith.constant 0.000000e+00 : f32
      %broadcast_in_dim3A_43 = vector.broadcast %broadcast_in_dim3A_42 : f32 to vector<16xf32>
      %swap3A_44 = arith.index_cast %add3A_36 : i32 to index
      %swap3A_45 = arith.constant 16 : index
      %swap3A_46 = tpu.vector_load %arg5[%swap3A_44, %swap3A_45] {strides = array<i32>} : memref<128x128xf32, #tpu.memory_space<vmem>>, vector<1x16xf32>,
      %swap3A_47 = vector.shape_cast %swap3A_46 : vector<1x16xf32> to vector<16xf32>
      %swap3A_48 = vector.shape_cast %broadcast_in_dim3A_43 : vector<16xf32> to vector<1x16xf32>
      tpu.vector_store %arg5[%swap3A_44, %swap3A_45], %swap3A_48 {strides = array<i32>} : memref<128x128xf32, #tpu.memory_space<vmem>>, vector<1x16xf32>,
      %broadcast_in_dim3A_49 = arith.constant 0.000000e+00 : f32
      %broadcast_in_dim3A_50 = vector.broadcast %broadcast_in_dim3A_49 : f32 to vector<16xf32>
      %swap3A_51 = arith.index_cast %add3A_36 : i32 to index
      %swap3A_52 = arith.constant 32 : index
      %swap3A_53 = tpu.vector_load %arg5[%swap3A_51, %swap3A_52] {strides = array<i32>} : memref<128x128xf32, #tpu.memory_space<vmem>>, vector<1x16xf32>,
      %swap3A_54 = vector.shape_cast %swap3A_53 : vector<1x16xf32> to vector<16xf32>
      %swap3A_55 = vector.shape_cast %broadcast_in_dim3A_50 : vector<16xf32> to vector<1x16xf32>
      tpu.vector_store %arg5[%swap3A_51, %swap3A_52], %swap3A_55 {strides = array<i32>} : memref<128x128xf32, #tpu.memory_space<vmem>>, vector<1x16xf32>,
      %broadcast_in_dim3A_56 = arith.constant 0.000000e+00 : f32
      %broadcast_in_dim3A_57 = vector.broadcast %broadcast_in_dim3A_56 : f32 to vector<16xf32>
      %swap3A_58 = arith.index_cast %add3A_36 : i32 to index
      %swap3A_59 = arith.constant 48 : index
      %swap3A_60 = tpu.vector_load %arg5[%swap3A_58, %swap3A_59] {strides = array<i32>} : memref<128x128xf32, #tpu.memory_space<vmem>>, vector<1x16xf32>,
      %swap3A_61 = vector.shape_cast %swap3A_60 : vector<1x16xf32> to vector<16xf32>
      %swap3A_62 = vector.shape_cast %broadcast_in_dim3A_57 : vector<16xf32> to vector<1x16xf32>
      tpu.vector_store %arg5[%swap3A_58, %swap3A_59], %swap3A_62 {strides = array<i32>} : memref<128x128xf32, #tpu.memory_space<vmem>>, vector<1x16xf32>,
      %broadcast_in_dim3A_63 = arith.constant 0.000000e+00 : f32
      %broadcast_in_dim3A_64 = vector.broadcast %broadcast_in_dim3A_63 : f32 to vector<16xf32>
      %swap3A_65 = arith.index_cast %add3A_36 : i32 to index
      %swap3A_66 = arith.constant 64 : index
      %swap3A_67 = tpu.vector_load %arg5[%swap3A_65, %swap3A_66] {strides = array<i32>} : memref<128x128xf32, #tpu.memory_space<vmem>>, vector<1x16xf32>,
      %swap3A_68 = vector.shape_cast %swap3A_67 : vector<1x16xf32> to vector<16xf32>
      %swap3A_69 = vector.shape_cast %broadcast_in_dim3A_64 : vector<16xf32> to vector<1x16xf32>
      tpu.vector_store %arg5[%swap3A_65, %swap3A_66], %swap3A_69 {strides = array<i32>} : memref<128x128xf32, #tpu.memory_space<vmem>>, vector<1x16xf32>,
      %broadcast_in_dim3A_70 = arith.constant 0.000000e+00 : f32
      %broadcast_in_dim3A_71 = vector.broadcast %broadcast_in_dim3A_70 : f32 to vector<16xf32>
      %swap3A_72 = arith.index_cast %add3A_36 : i32 to index
      %swap3A_73 = arith.constant 80 : index
      %swap3A_74 = tpu.vector_load %arg5[%swap3A_72, %swap3A_73] {strides = array<i32>} : memref<128x128xf32, #tpu.memory_space<vmem>>, vector<1x16xf32>,
      %swap3A_75 = vector.shape_cast %swap3A_74 : vector<1x16xf32> to vector<16xf32>
      %swap3A_76 = vector.shape_cast %broadcast_in_dim3A_71 : vector<16xf32> to vector<1x16xf32>
      tpu.vector_store %arg5[%swap3A_72, %swap3A_73], %swap3A_76 {strides = array<i32>} : memref<128x128xf32, #tpu.memory_space<vmem>>, vector<1x16xf32>,
      %broadcast_in_dim3A_77 = arith.constant 0.000000e+00 : f32
      %broadcast_in_dim3A_78 = vector.broadcast %broadcast_in_dim3A_77 : f32 to vector<16xf32>
      %swap3A_79 = arith.index_cast %add3A_36 : i32 to index
      %swap3A_80 = arith.constant 96 : index
      %swap3A_81 = tpu.vector_load %arg5[%swap3A_79, %swap3A_80] {strides = array<i32>} : memref<128x128xf32, #tpu.memory_space<vmem>>, vector<1x16xf32>,
      %swap3A_82 = vector.shape_cast %swap3A_81 : vector<1x16xf32> to vector<16xf32>
      %swap3A_83 = vector.shape_cast %broadcast_in_dim3A_78 : vector<16xf32> to vector<1x16xf32>
      tpu.vector_store %arg5[%swap3A_79, %swap3A_80], %swap3A_83 {strides = array<i32>} : memref<128x128xf32, #tpu.memory_space<vmem>>, vector<1x16xf32>,
      %broadcast_in_dim3A_84 = arith.constant 0.000000e+00 : f32
      %broadcast_in_dim3A_85 = vector.broadcast %broadcast_in_dim3A_84 : f32 to vector<16xf32>
      %swap3A_86 = arith.index_cast %add3A_36 : i32 to index
      %swap3A_87 = arith.constant 112 : index
      %swap3A_88 = tpu.vector_load %arg5[%swap3A_86, %swap3A_87] {strides = array<i32>} : memref<128x128xf32, #tpu.memory_space<vmem>>, vector<1x16xf32>,
      %swap3A_89 = vector.shape_cast %swap3A_88 : vector<1x16xf32> to vector<16xf32>
      %swap3A_90 = vector.shape_cast %broadcast_in_dim3A_85 : vector<16xf32> to vector<1x16xf32>
      tpu.vector_store %arg5[%swap3A_86, %swap3A_87], %swap3A_90 {strides = array<i32>} : memref<128x128xf32, #tpu.memory_space<vmem>>, vector<1x16xf32>,
    }
    %scan3A_4 = arith.constant 128 : i32
    %mul3A_5 = arith.constant 640 : i32
    %mul3A_6 = arith.muli %arg1, %mul3A_5 : i32
    %add3A_7 = arith.constant 0 : i32
    %add3A_8 = arith.addi %mul3A_6, %add3A_7 : i32
    "tpu.region"() ({
      %run_scoped3A = tpu.sem_alloc : memref<!tpu.dma_semaphore, #tpu.memory_space<semaphore_mem>>
      %dma_start3A = arith.constant 0 : i32
      %dma_start3A_32 = tpu.memref_slice %arg6[%add3A_8, %dma_start3A] : memref<10240x128xf32, #tpu.memory_space<vmem_shared>> -> memref<128x128xf32, #tpu.memory_space<vmem_shared>>
      %dma_start3A_33 = arith.constant 0 : i32
      %dma_start3A_34 = tpu.memref_slice %arg6[%add3A_8, %dma_start3A_33] : memref<10240x128xf32, #tpu.memory_space<vmem_shared>> -> memref<128x128xf32, #tpu.memory_space<vmem_shared>>
      tpu.enqueue_dma source(%arg5 : memref<128x128xf32, #tpu.memory_space<vmem>>) target(%dma_start3A_34 : memref<128x128xf32, #tpu.memory_space<vmem_shared>>) target_semaphore(%run_scoped3A : memref<!tpu.dma_semaphore, #tpu.memory_space<semaphore_mem>>)
      %dma_wait3A = arith.constant 0 : i32
      %dma_wait3A_35 = tpu.memref_slice %arg6[%add3A_8, %dma_wait3A] : memref<10240x128xf32, #tpu.memory_space<vmem_shared>> -> memref<128x128xf32, #tpu.memory_space<vmem_shared>>
      %dma_wait3A_36 = arith.constant 0 : i32
      %dma_wait3A_37 = tpu.memref_slice %arg6[%add3A_8, %dma_wait3A_36] : memref<10240x128xf32, #tpu.memory_space<vmem_shared>> -> memref<128x128xf32, #tpu.memory_space<vmem_shared>>
      tpu.wait_dma2 semaphore(%run_scoped3A : memref<!tpu.dma_semaphore, #tpu.memory_space<semaphore_mem>>) src(%arg5 : memref<128x128xf32, #tpu.memory_space<vmem>>) dst(%dma_wait3A_37 : memref<128x128xf32, #tpu.memory_space<vmem_shared>>)
      tpu.yield
    }) : () -> ()
    %add3A_9 = arith.constant 128 : i32
    %add3A_10 = arith.addi %mul3A_6, %add3A_9 : i32
    "tpu.region"() ({
      %run_scoped3A = tpu.sem_alloc : memref<!tpu.dma_semaphore, #tpu.memory_space<semaphore_mem>>
      %dma_start3A = arith.constant 0 : i32
      %dma_start3A_32 = tpu.memref_slice %arg6[%add3A_10, %dma_start3A] : memref<10240x128xf32, #tpu.memory_space<vmem_shared>> -> memref<128x128xf32, #tpu.memory_space<vmem_shared>>
      %dma_start3A_33 = arith.constant 0 : i32
      %dma_start3A_34 = tpu.memref_slice %arg6[%add3A_10, %dma_start3A_33] : memref<10240x128xf32, #tpu.memory_space<vmem_shared>> -> memref<128x128xf32, #tpu.memory_space<vmem_shared>>
      tpu.enqueue_dma source(%arg5 : memref<128x128xf32, #tpu.memory_space<vmem>>) target(%dma_start3A_34 : memref<128x128xf32, #tpu.memory_space<vmem_shared>>) target_semaphore(%run_scoped3A : memref<!tpu.dma_semaphore, #tpu.memory_space<semaphore_mem>>)
      %dma_wait3A = arith.constant 0 : i32
      %dma_wait3A_35 = tpu.memref_slice %arg6[%add3A_10, %dma_wait3A] : memref<10240x128xf32, #tpu.memory_space<vmem_shared>> -> memref<128x128xf32, #tpu.memory_space<vmem_shared>>
      %dma_wait3A_36 = arith.constant 0 : i32
      %dma_wait3A_37 = tpu.memref_slice %arg6[%add3A_10, %dma_wait3A_36] : memref<10240x128xf32, #tpu.memory_space<vmem_shared>> -> memref<128x128xf32, #tpu.memory_space<vmem_shared>>
      tpu.wait_dma2 semaphore(%run_scoped3A : memref<!tpu.dma_semaphore, #tpu.memory_space<semaphore_mem>>) src(%arg5 : memref<128x128xf32, #tpu.memory_space<vmem>>) dst(%dma_wait3A_37 : memref<128x128xf32, #tpu.memory_space<vmem_shared>>)
      tpu.yield
    }) : () -> ()
    %add3A_11 = arith.constant 256 : i32
    %add3A_12 = arith.addi %mul3A_6, %add3A_11 : i32
    "tpu.region"() ({
      %run_scoped3A = tpu.sem_alloc : memref<!tpu.dma_semaphore, #tpu.memory_space<semaphore_mem>>
      %dma_start3A = arith.constant 0 : i32
      %dma_start3A_32 = tpu.memref_slice %arg6[%add3A_12, %dma_start3A] : memref<10240x128xf32, #tpu.memory_space<vmem_shared>> -> memref<128x128xf32, #tpu.memory_space<vmem_shared>>
      %dma_start3A_33 = arith.constant 0 : i32
      %dma_start3A_34 = tpu.memref_slice %arg6[%add3A_12, %dma_start3A_33] : memref<10240x128xf32, #tpu.memory_space<vmem_shared>> -> memref<128x128xf32, #tpu.memory_space<vmem_shared>>
      tpu.enqueue_dma source(%arg5 : memref<128x128xf32, #tpu.memory_space<vmem>>) target(%dma_start3A_34 : memref<128x128xf32, #tpu.memory_space<vmem_shared>>) target_semaphore(%run_scoped3A : memref<!tpu.dma_semaphore, #tpu.memory_space<semaphore_mem>>)
      %dma_wait3A = arith.constant 0 : i32
      %dma_wait3A_35 = tpu.memref_slice %arg6[%add3A_12, %dma_wait3A] : memref<10240x128xf32, #tpu.memory_space<vmem_shared>> -> memref<128x128xf32, #tpu.memory_space<vmem_shared>>
      %dma_wait3A_36 = arith.constant 0 : i32
      %dma_wait3A_37 = tpu.memref_slice %arg6[%add3A_12, %dma_wait3A_36] : memref<10240x128xf32, #tpu.memory_space<vmem_shared>> -> memref<128x128xf32, #tpu.memory_space<vmem_shared>>
      tpu.wait_dma2 semaphore(%run_scoped3A : memref<!tpu.dma_semaphore, #tpu.memory_space<semaphore_mem>>) src(%arg5 : memref<128x128xf32, #tpu.memory_space<vmem>>) dst(%dma_wait3A_37 : memref<128x128xf32, #tpu.memory_space<vmem_shared>>)
      tpu.yield
    }) : () -> ()
    %add3A_13 = arith.constant 384 : i32
    %add3A_14 = arith.addi %mul3A_6, %add3A_13 : i32
    "tpu.region"() ({
      %run_scoped3A = tpu.sem_alloc : memref<!tpu.dma_semaphore, #tpu.memory_space<semaphore_mem>>
      %dma_start3A = arith.constant 0 : i32
      %dma_start3A_32 = tpu.memref_slice %arg6[%add3A_14, %dma_start3A] : memref<10240x128xf32, #tpu.memory_space<vmem_shared>> -> memref<128x128xf32, #tpu.memory_space<vmem_shared>>
      %dma_start3A_33 = arith.constant 0 : i32
      %dma_start3A_34 = tpu.memref_slice %arg6[%add3A_14, %dma_start3A_33] : memref<10240x128xf32, #tpu.memory_space<vmem_shared>> -> memref<128x128xf32, #tpu.memory_space<vmem_shared>>
      tpu.enqueue_dma source(%arg5 : memref<128x128xf32, #tpu.memory_space<vmem>>) target(%dma_start3A_34 : memref<128x128xf32, #tpu.memory_space<vmem_shared>>) target_semaphore(%run_scoped3A : memref<!tpu.dma_semaphore, #tpu.memory_space<semaphore_mem>>)
      %dma_wait3A = arith.constant 0 : i32
      %dma_wait3A_35 = tpu.memref_slice %arg6[%add3A_14, %dma_wait3A] : memref<10240x128xf32, #tpu.memory_space<vmem_shared>> -> memref<128x128xf32, #tpu.memory_space<vmem_shared>>
      %dma_wait3A_36 = arith.constant 0 : i32
      %dma_wait3A_37 = tpu.memref_slice %arg6[%add3A_14, %dma_wait3A_36] : memref<10240x128xf32, #tpu.memory_space<vmem_shared>> -> memref<128x128xf32, #tpu.memory_space<vmem_shared>>
      tpu.wait_dma2 semaphore(%run_scoped3A : memref<!tpu.dma_semaphore, #tpu.memory_space<semaphore_mem>>) src(%arg5 : memref<128x128xf32, #tpu.memory_space<vmem>>) dst(%dma_wait3A_37 : memref<128x128xf32, #tpu.memory_space<vmem_shared>>)
      tpu.yield
    }) : () -> ()
    %add3A_15 = arith.constant 512 : i32
    %add3A_16 = arith.addi %mul3A_6, %add3A_15 : i32
    "tpu.region"() ({
      %run_scoped3A = tpu.sem_alloc : memref<!tpu.dma_semaphore, #tpu.memory_space<semaphore_mem>>
      %dma_start3A = arith.constant 0 : i32
      %dma_start3A_32 = tpu.memref_slice %arg6[%add3A_16, %dma_start3A] : memref<10240x128xf32, #tpu.memory_space<vmem_shared>> -> memref<128x128xf32, #tpu.memory_space<vmem_shared>>
      %dma_start3A_33 = arith.constant 0 : i32
      %dma_start3A_34 = tpu.memref_slice %arg6[%add3A_16, %dma_start3A_33] : memref<10240x128xf32, #tpu.memory_space<vmem_shared>> -> memref<128x128xf32, #tpu.memory_space<vmem_shared>>
      tpu.enqueue_dma source(%arg5 : memref<128x128xf32, #tpu.memory_space<vmem>>) target(%dma_start3A_34 : memref<128x128xf32, #tpu.memory_space<vmem_shared>>) target_semaphore(%run_scoped3A : memref<!tpu.dma_semaphore, #tpu.memory_space<semaphore_mem>>)
      %dma_wait3A = arith.constant 0 : i32
      %dma_wait3A_35 = tpu.memref_slice %arg6[%add3A_16, %dma_wait3A] : memref<10240x128xf32, #tpu.memory_space<vmem_shared>> -> memref<128x128xf32, #tpu.memory_space<vmem_shared>>
      %dma_wait3A_36 = arith.constant 0 : i32
      %dma_wait3A_37 = tpu.memref_slice %arg6[%add3A_16, %dma_wait3A_36] : memref<10240x128xf32, #tpu.memory_space<vmem_shared>> -> memref<128x128xf32, #tpu.memory_space<vmem_shared>>
      tpu.wait_dma2 semaphore(%run_scoped3A : memref<!tpu.dma_semaphore, #tpu.memory_space<semaphore_mem>>) src(%arg5 : memref<128x128xf32, #tpu.memory_space<vmem>>) dst(%dma_wait3A_37 : memref<128x128xf32, #tpu.memory_space<vmem_shared>>)
      tpu.yield
    }) : () -> ()
    %barrier3A = arith.constant 0 : index
    tpu.barrier barrier_id(%barrier3A)
    %scan3A_17 = arith.constant 0 : i32
    %scan3A_18 = arith.constant 128 : i32
    %scan3A_19 = arith.addi %scan3A_17, %scan3A_18 : i32
    %scan3A_20 = arith.constant 1 : i32
    scf.for %scan3A_32 = %scan3A_17 to %scan3A_19 step %scan3A_20  : i32 {
      %mul3A_33 = arith.constant 1 : i32
      %mul3A_34 = arith.muli %scan3A_32, %mul3A_33 : i32
      %add3A_35 = arith.constant 0 : i32
      %add3A_36 = arith.addi %add3A_35, %mul3A_34 : i32
      %broadcast_in_dim3A = arith.constant 1.000000e+00 : f32
      %broadcast_in_dim3A_37 = vector.broadcast %broadcast_in_dim3A : f32 to vector<16xf32>
      %swap3A = arith.index_cast %add3A_36 : i32 to index
      %swap3A_38 = arith.constant 0 : index
      %swap3A_39 = tpu.vector_load %arg5[%swap3A, %swap3A_38] {strides = array<i32>} : memref<128x128xf32, #tpu.memory_space<vmem>>, vector<1x16xf32>,
      %swap3A_40 = vector.shape_cast %swap3A_39 : vector<1x16xf32> to vector<16xf32>
      %swap3A_41 = vector.shape_cast %broadcast_in_dim3A_37 : vector<16xf32> to vector<1x16xf32>
      tpu.vector_store %arg5[%swap3A, %swap3A_38], %swap3A_41 {strides = array<i32>} : memref<128x128xf32, #tpu.memory_space<vmem>>, vector<1x16xf32>,
      %broadcast_in_dim3A_42 = arith.constant 1.000000e+00 : f32
      %broadcast_in_dim3A_43 = vector.broadcast %broadcast_in_dim3A_42 : f32 to vector<16xf32>
      %swap3A_44 = arith.index_cast %add3A_36 : i32 to index
      %swap3A_45 = arith.constant 16 : index
      %swap3A_46 = tpu.vector_load %arg5[%swap3A_44, %swap3A_45] {strides = array<i32>} : memref<128x128xf32, #tpu.memory_space<vmem>>, vector<1x16xf32>,
      %swap3A_47 = vector.shape_cast %swap3A_46 : vector<1x16xf32> to vector<16xf32>
      %swap3A_48 = vector.shape_cast %broadcast_in_dim3A_43 : vector<16xf32> to vector<1x16xf32>
      tpu.vector_store %arg5[%swap3A_44, %swap3A_45], %swap3A_48 {strides = array<i32>} : memref<128x128xf32, #tpu.memory_space<vmem>>, vector<1x16xf32>,
      %broadcast_in_dim3A_49 = arith.constant 1.000000e+00 : f32
      %broadcast_in_dim3A_50 = vector.broadcast %broadcast_in_dim3A_49 : f32 to vector<16xf32>
      %swap3A_51 = arith.index_cast %add3A_36 : i32 to index
      %swap3A_52 = arith.constant 32 : index
      %swap3A_53 = tpu.vector_load %arg5[%swap3A_51, %swap3A_52] {strides = array<i32>} : memref<128x128xf32, #tpu.memory_space<vmem>>, vector<1x16xf32>,
      %swap3A_54 = vector.shape_cast %swap3A_53 : vector<1x16xf32> to vector<16xf32>
      %swap3A_55 = vector.shape_cast %broadcast_in_dim3A_50 : vector<16xf32> to vector<1x16xf32>
      tpu.vector_store %arg5[%swap3A_51, %swap3A_52], %swap3A_55 {strides = array<i32>} : memref<128x128xf32, #tpu.memory_space<vmem>>, vector<1x16xf32>,
      %broadcast_in_dim3A_56 = arith.constant 1.000000e+00 : f32
      %broadcast_in_dim3A_57 = vector.broadcast %broadcast_in_dim3A_56 : f32 to vector<16xf32>
      %swap3A_58 = arith.index_cast %add3A_36 : i32 to index
      %swap3A_59 = arith.constant 48 : index
      %swap3A_60 = tpu.vector_load %arg5[%swap3A_58, %swap3A_59] {strides = array<i32>} : memref<128x128xf32, #tpu.memory_space<vmem>>, vector<1x16xf32>,
      %swap3A_61 = vector.shape_cast %swap3A_60 : vector<1x16xf32> to vector<16xf32>
      %swap3A_62 = vector.shape_cast %broadcast_in_dim3A_57 : vector<16xf32> to vector<1x16xf32>
      tpu.vector_store %arg5[%swap3A_58, %swap3A_59], %swap3A_62 {strides = array<i32>} : memref<128x128xf32, #tpu.memory_space<vmem>>, vector<1x16xf32>,
      %broadcast_in_dim3A_63 = arith.constant 1.000000e+00 : f32
      %broadcast_in_dim3A_64 = vector.broadcast %broadcast_in_dim3A_63 : f32 to vector<16xf32>
      %swap3A_65 = arith.index_cast %add3A_36 : i32 to index
      %swap3A_66 = arith.constant 64 : index
      %swap3A_67 = tpu.vector_load %arg5[%swap3A_65, %swap3A_66] {strides = array<i32>} : memref<128x128xf32, #tpu.memory_space<vmem>>, vector<1x16xf32>,
      %swap3A_68 = vector.shape_cast %swap3A_67 : vector<1x16xf32> to vector<16xf32>
      %swap3A_69 = vector.shape_cast %broadcast_in_dim3A_64 : vector<16xf32> to vector<1x16xf32>
      tpu.vector_store %arg5[%swap3A_65, %swap3A_66], %swap3A_69 {strides = array<i32>} : memref<128x128xf32, #tpu.memory_space<vmem>>, vector<1x16xf32>,
      %broadcast_in_dim3A_70 = arith.constant 1.000000e+00 : f32
      %broadcast_in_dim3A_71 = vector.broadcast %broadcast_in_dim3A_70 : f32 to vector<16xf32>
      %swap3A_72 = arith.index_cast %add3A_36 : i32 to index
      %swap3A_73 = arith.constant 80 : index
      %swap3A_74 = tpu.vector_load %arg5[%swap3A_72, %swap3A_73] {strides = array<i32>} : memref<128x128xf32, #tpu.memory_space<vmem>>, vector<1x16xf32>,
      %swap3A_75 = vector.shape_cast %swap3A_74 : vector<1x16xf32> to vector<16xf32>
      %swap3A_76 = vector.shape_cast %broadcast_in_dim3A_71 : vector<16xf32> to vector<1x16xf32>
      tpu.vector_store %arg5[%swap3A_72, %swap3A_73], %swap3A_76 {strides = array<i32>} : memref<128x128xf32, #tpu.memory_space<vmem>>, vector<1x16xf32>,
      %broadcast_in_dim3A_77 = arith.constant 1.000000e+00 : f32
      %broadcast_in_dim3A_78 = vector.broadcast %broadcast_in_dim3A_77 : f32 to vector<16xf32>
      %swap3A_79 = arith.index_cast %add3A_36 : i32 to index
      %swap3A_80 = arith.constant 96 : index
      %swap3A_81 = tpu.vector_load %arg5[%swap3A_79, %swap3A_80] {strides = array<i32>} : memref<128x128xf32, #tpu.memory_space<vmem>>, vector<1x16xf32>,
      %swap3A_82 = vector.shape_cast %swap3A_81 : vector<1x16xf32> to vector<16xf32>
      %swap3A_83 = vector.shape_cast %broadcast_in_dim3A_78 : vector<16xf32> to vector<1x16xf32>
      tpu.vector_store %arg5[%swap3A_79, %swap3A_80], %swap3A_83 {strides = array<i32>} : memref<128x128xf32, #tpu.memory_space<vmem>>, vector<1x16xf32>,
      %broadcast_in_dim3A_84 = arith.constant 1.000000e+00 : f32
      %broadcast_in_dim3A_85 = vector.broadcast %broadcast_in_dim3A_84 : f32 to vector<16xf32>
      %swap3A_86 = arith.index_cast %add3A_36 : i32 to index
      %swap3A_87 = arith.constant 112 : index
      %swap3A_88 = tpu.vector_load %arg5[%swap3A_86, %swap3A_87] {strides = array<i32>} : memref<128x128xf32, #tpu.memory_space<vmem>>, vector<1x16xf32>,
      %swap3A_89 = vector.shape_cast %swap3A_88 : vector<1x16xf32> to vector<16xf32>
      %swap3A_90 = vector.shape_cast %broadcast_in_dim3A_85 : vector<16xf32> to vector<1x16xf32>
      tpu.vector_store %arg5[%swap3A_86, %swap3A_87], %swap3A_90 {strides = array<i32>} : memref<128x128xf32, #tpu.memory_space<vmem>>, vector<1x16xf32>,
    }
    %scan3A_21 = arith.constant 128 : i32
    "tpu.region"() ({
      %run_scoped3A = tpu.sem_alloc : memref<!tpu.dma_semaphore, #tpu.memory_space<semaphore_mem>>
      %dma_start3A = arith.constant 0 : i32
      %dma_start3A_32 = arith.constant 0 : i32
      %dma_start3A_33 = tpu.memref_slice %arg2[%add3A, %dma_start3A, %dma_start3A_32] : memref<32x79x128xi32, #tpu.memory_space<hbm>> -> memref<1x79x128xi32, #tpu.memory_space<hbm>>
      %dma_start3A_34 = tpu.memref_squeeze %dma_start3A_33 : memref<1x79x128xi32, #tpu.memory_space<hbm>> -> memref<79x128xi32, #tpu.memory_space<hbm>>
      %dma_start3A_35 = arith.constant 0 : i32
      %dma_start3A_36 = arith.constant 0 : i32
      %dma_start3A_37 = tpu.memref_slice %arg2[%add3A, %dma_start3A_35, %dma_start3A_36] : memref<32x79x128xi32, #tpu.memory_space<hbm>> -> memref<1x79x128xi32, #tpu.memory_space<hbm>>
      %dma_start3A_38 = tpu.memref_squeeze %dma_start3A_37 : memref<1x79x128xi32, #tpu.memory_space<hbm>> -> memref<79x128xi32, #tpu.memory_space<hbm>>
      tpu.enqueue_dma source(%dma_start3A_38 : memref<79x128xi32, #tpu.memory_space<hbm>>) target(%arg4 : memref<79x128xi32, #tpu.memory_space<vmem>>) target_semaphore(%run_scoped3A : memref<!tpu.dma_semaphore, #tpu.memory_space<semaphore_mem>>)
      %dma_wait3A = arith.constant 0 : i32
      %dma_wait3A_39 = arith.constant 0 : i32
      %dma_wait3A_40 = tpu.memref_slice %arg2[%add3A, %dma_wait3A, %dma_wait3A_39] : memref<32x79x128xi32, #tpu.memory_space<hbm>> -> memref<1x79x128xi32, #tpu.memory_space<hbm>>
      %dma_wait3A_41 = tpu.memref_squeeze %dma_wait3A_40 : memref<1x79x128xi32, #tpu.memory_space<hbm>> -> memref<79x128xi32, #tpu.memory_space<hbm>>
      %dma_wait3A_42 = arith.constant 0 : i32
      %dma_wait3A_43 = arith.constant 0 : i32
      %dma_wait3A_44 = tpu.memref_slice %arg2[%add3A, %dma_wait3A_42, %dma_wait3A_43] : memref<32x79x128xi32, #tpu.memory_space<hbm>> -> memref<1x79x128xi32, #tpu.memory_space<hbm>>
      %dma_wait3A_45 = tpu.memref_squeeze %dma_wait3A_44 : memref<1x79x128xi32, #tpu.memory_space<hbm>> -> memref<79x128xi32, #tpu.memory_space<hbm>>
      tpu.wait_dma2 semaphore(%run_scoped3A : memref<!tpu.dma_semaphore, #tpu.memory_space<semaphore_mem>>) src(%dma_wait3A_45 : memref<79x128xi32, #tpu.memory_space<hbm>>) dst(%arg4 : memref<79x128xi32, #tpu.memory_space<vmem>>)
      tpu.yield
    }) : () -> ()
    %scan3A_22 = arith.constant 0 : i32
    %scan3A_23 = arith.constant 79 : i32
    %scan3A_24 = arith.addi %scan3A_22, %scan3A_23 : i32
    %scan3A_25 = arith.constant 1 : i32
    scf.for %scan3A_32 = %scan3A_22 to %scan3A_24 step %scan3A_25  : i32 {
      %mul3A_33 = arith.constant 1 : i32
      %mul3A_34 = arith.muli %scan3A_32, %mul3A_33 : i32
      %add3A_35 = arith.constant 0 : i32
      %add3A_36 = arith.addi %add3A_35, %mul3A_34 : i32
      "tpu.region"() ({
        %run_scoped3A = tpu.sem_alloc : memref<!tpu.dma_semaphore, #tpu.memory_space<semaphore_mem>>
        %dma_start3A = arith.constant 0 : i32
        %dma_start3A_37 = tpu.memref_slice %arg4[%add3A_36, %dma_start3A] : memref<79x128xi32, #tpu.memory_space<vmem>> -> memref<1x128xi32, #tpu.memory_space<vmem>>
        %dma_start3A_38 = tpu.memref_squeeze %dma_start3A_37 : memref<1x128xi32, #tpu.memory_space<vmem>> -> memref<128xi32, #tpu.memory_space<vmem>>
        %dma_start3A_39 = arith.constant 0 : i32
        %dma_start3A_40 = arith.constant 0 : i32
        %dma_start3A_41 = tpu.memref_slice %arg6[%dma_start3A_39, %dma_start3A_40] : memref<10240x128xf32, #tpu.memory_space<vmem_shared>> -> memref<10240x128xf32, #tpu.memory_space<vmem_shared>>
        tpu.enqueue_indirect_dma source(%arg5 : memref<128x128xf32, #tpu.memory_space<vmem>>) target(%dma_start3A_41 : memref<10240x128xf32, #tpu.memory_space<vmem_shared>>) offsets(%dma_start3A_38 : memref<128xi32, #tpu.memory_space<vmem>>) semaphore(%run_scoped3A : memref<!tpu.dma_semaphore, #tpu.memory_space<semaphore_mem>>) {add = true}
        %dma_wait3A = arith.constant 0 : i32
        %dma_wait3A_42 = tpu.memref_slice %arg4[%add3A_36, %dma_wait3A] : memref<79x128xi32, #tpu.memory_space<vmem>> -> memref<1x128xi32, #tpu.memory_space<vmem>>
        %dma_wait3A_43 = tpu.memref_squeeze %dma_wait3A_42 : memref<1x128xi32, #tpu.memory_space<vmem>> -> memref<128xi32, #tpu.memory_space<vmem>>
        %dma_wait3A_44 = arith.constant 0 : i32
        %dma_wait3A_45 = arith.constant 0 : i32
        %dma_wait3A_46 = tpu.memref_slice %arg6[%dma_wait3A_44, %dma_wait3A_45] : memref<10240x128xf32, #tpu.memory_space<vmem_shared>> -> memref<10240x128xf32, #tpu.memory_space<vmem_shared>>
        tpu.wait_indirect_dma semaphore(%run_scoped3A : memref<!tpu.dma_semaphore, #tpu.memory_space<semaphore_mem>>) src(%arg5 : memref<128x128xf32, #tpu.memory_space<vmem>>) dst(%dma_wait3A_46 : memref<10240x128xf32, #tpu.memory_space<vmem_shared>>)
        tpu.yield
      }) : () -> ()
    }
    %scan3A_26 = arith.constant 79 : i32
    %barrier3A_27 = arith.constant 0 : index
    tpu.barrier barrier_id(%barrier3A_27)
    %mul3A_28 = arith.constant 640 : i32
    %mul3A_29 = arith.muli %arg1, %mul3A_28 : i32
    %mul3A_30 = arith.constant 640 : i32
    %mul3A_31 = arith.muli %arg1, %mul3A_30 : i32
    "tpu.region"() ({
      %run_scoped3A = tpu.sem_alloc : memref<!tpu.dma_semaphore, #tpu.memory_space<semaphore_mem>>
      %dma_start3A = arith.constant 0 : i32
      %dma_start3A_32 = tpu.memref_slice %arg3[%arg0, %mul3A_31, %dma_start3A] : memref<2x10240x128xf32, #tpu.memory_space<hbm>> -> memref<1x640x128xf32, #tpu.memory_space<hbm>>
      %dma_start3A_33 = tpu.memref_squeeze %dma_start3A_32 : memref<1x640x128xf32, #tpu.memory_space<hbm>> -> memref<640x128xf32, #tpu.memory_space<hbm>>
      %dma_start3A_34 = arith.constant 0 : i32
      %dma_start3A_35 = tpu.memref_slice %arg6[%mul3A_29, %dma_start3A_34] : memref<10240x128xf32, #tpu.memory_space<vmem_shared>> -> memref<640x128xf32, #tpu.memory_space<vmem_shared>>
      tpu.enqueue_dma source(%dma_start3A_35 : memref<640x128xf32, #tpu.memory_space<vmem_shared>>) target(%dma_start3A_33 : memref<640x128xf32, #tpu.memory_space<hbm>>) target_semaphore(%run_scoped3A : memref<!tpu.dma_semaphore, #tpu.memory_space<semaphore_mem>>)
      %dma_wait3A = arith.constant 0 : i32
      %dma_wait3A_36 = tpu.memref_slice %arg3[%arg0, %mul3A_31, %dma_wait3A] : memref<2x10240x128xf32, #tpu.memory_space<hbm>> -> memref<1x640x128xf32, #tpu.memory_space<hbm>>
      %dma_wait3A_37 = tpu.memref_squeeze %dma_wait3A_36 : memref<1x640x128xf32, #tpu.memory_space<hbm>> -> memref<640x128xf32, #tpu.memory_space<hbm>>
      %dma_wait3A_38 = arith.constant 0 : i32
      %dma_wait3A_39 = tpu.memref_slice %arg6[%mul3A_29, %dma_wait3A_38] : memref<10240x128xf32, #tpu.memory_space<vmem_shared>> -> memref<640x128xf32, #tpu.memory_space<vmem_shared>>
      tpu.wait_dma2 semaphore(%run_scoped3A : memref<!tpu.dma_semaphore, #tpu.memory_space<semaphore_mem>>) src(%dma_wait3A_39 : memref<640x128xf32, #tpu.memory_space<vmem_shared>>) dst(%dma_wait3A_37 : memref<640x128xf32, #tpu.memory_space<hbm>>)
      tpu.yield
    }) : () -> ()
    return
  }
}

#map = affine_map<(d0, d1) -> (0, 0)>
#map1 = affine_map<(d0, d1) -> (0, 0, 0)>
module attributes {stable_mosaic.version = 14 : i64} {
  func.func @_seg_kernel(%arg0: i32, %arg1: i32, %arg2: memref<10000x128xf32, #tpu.memory_space<hbm>>, %arg3: memref<32x79x128xi32, #tpu.memory_space<hbm>>, %arg4: memref<32x79x128xi32, #tpu.memory_space<hbm>>, %arg5: memref<2x10240x128xf32, #tpu.memory_space<hbm>>, %arg6: memref<79x128xi32, #tpu.memory_space<vmem>>, %arg7: memref<79x128xi32, #tpu.memory_space<vmem>>, %arg8: memref<128x128xf32, #tpu.memory_space<vmem>>, %arg9: memref<10240x128xf32, #tpu.memory_space<vmem_shared>>, %arg10: memref<!tpu.dma_semaphore, #tpu.memory_space<semaphore_mem>>) attributes {dimension_semantics = [#tpu.dimension_semantics<core_parallel>, #tpu.dimension_semantics<subcore_parallel>], iteration_bounds = array<i64: 2, 16>, scalar_prefetch = 0 : i64, scratch_operands = 5 : i64, tpu.core_type = #tpu.core_type<sc_vector_subcore>, window_params = [{transform_indices = #map}, {transform_indices = #map1}, {transform_indices = #map1}, {transform_indices = #map1}]} {
    %mul3A = arith.constant 16 : i32
    %mul3A_0 = arith.muli %arg0, %mul3A : i32
    %add3A = arith.addi %mul3A_0, %arg1 : i32
    %scan3A = arith.constant 0 : i32
    %scan3A_1 = arith.constant 128 : i32
    %scan3A_2 = arith.addi %scan3A, %scan3A_1 : i32
    %scan3A_3 = arith.constant 1 : i32
    scf.for %scan3A_24 = %scan3A to %scan3A_2 step %scan3A_3  : i32 {
      %mul3A_25 = arith.constant 1 : i32
      %mul3A_26 = arith.muli %scan3A_24, %mul3A_25 : i32
      %add3A_27 = arith.constant 0 : i32
      %add3A_28 = arith.addi %add3A_27, %mul3A_26 : i32
      %broadcast_in_dim3A = arith.constant 0.000000e+00 : f32
      %broadcast_in_dim3A_29 = vector.broadcast %broadcast_in_dim3A : f32 to vector<16xf32>
      %swap3A = arith.index_cast %add3A_28 : i32 to index
      %swap3A_30 = arith.constant 0 : index
      %swap3A_31 = tpu.vector_load %arg8[%swap3A, %swap3A_30] {strides = array<i32>} : memref<128x128xf32, #tpu.memory_space<vmem>>, vector<1x16xf32>,
      %swap3A_32 = vector.shape_cast %swap3A_31 : vector<1x16xf32> to vector<16xf32>
      %swap3A_33 = vector.shape_cast %broadcast_in_dim3A_29 : vector<16xf32> to vector<1x16xf32>
      tpu.vector_store %arg8[%swap3A, %swap3A_30], %swap3A_33 {strides = array<i32>} : memref<128x128xf32, #tpu.memory_space<vmem>>, vector<1x16xf32>,
      %broadcast_in_dim3A_34 = arith.constant 0.000000e+00 : f32
      %broadcast_in_dim3A_35 = vector.broadcast %broadcast_in_dim3A_34 : f32 to vector<16xf32>
      %swap3A_36 = arith.index_cast %add3A_28 : i32 to index
      %swap3A_37 = arith.constant 16 : index
      %swap3A_38 = tpu.vector_load %arg8[%swap3A_36, %swap3A_37] {strides = array<i32>} : memref<128x128xf32, #tpu.memory_space<vmem>>, vector<1x16xf32>,
      %swap3A_39 = vector.shape_cast %swap3A_38 : vector<1x16xf32> to vector<16xf32>
      %swap3A_40 = vector.shape_cast %broadcast_in_dim3A_35 : vector<16xf32> to vector<1x16xf32>
      tpu.vector_store %arg8[%swap3A_36, %swap3A_37], %swap3A_40 {strides = array<i32>} : memref<128x128xf32, #tpu.memory_space<vmem>>, vector<1x16xf32>,
      %broadcast_in_dim3A_41 = arith.constant 0.000000e+00 : f32
      %broadcast_in_dim3A_42 = vector.broadcast %broadcast_in_dim3A_41 : f32 to vector<16xf32>
      %swap3A_43 = arith.index_cast %add3A_28 : i32 to index
      %swap3A_44 = arith.constant 32 : index
      %swap3A_45 = tpu.vector_load %arg8[%swap3A_43, %swap3A_44] {strides = array<i32>} : memref<128x128xf32, #tpu.memory_space<vmem>>, vector<1x16xf32>,
      %swap3A_46 = vector.shape_cast %swap3A_45 : vector<1x16xf32> to vector<16xf32>
      %swap3A_47 = vector.shape_cast %broadcast_in_dim3A_42 : vector<16xf32> to vector<1x16xf32>
      tpu.vector_store %arg8[%swap3A_43, %swap3A_44], %swap3A_47 {strides = array<i32>} : memref<128x128xf32, #tpu.memory_space<vmem>>, vector<1x16xf32>,
      %broadcast_in_dim3A_48 = arith.constant 0.000000e+00 : f32
      %broadcast_in_dim3A_49 = vector.broadcast %broadcast_in_dim3A_48 : f32 to vector<16xf32>
      %swap3A_50 = arith.index_cast %add3A_28 : i32 to index
      %swap3A_51 = arith.constant 48 : index
      %swap3A_52 = tpu.vector_load %arg8[%swap3A_50, %swap3A_51] {strides = array<i32>} : memref<128x128xf32, #tpu.memory_space<vmem>>, vector<1x16xf32>,
      %swap3A_53 = vector.shape_cast %swap3A_52 : vector<1x16xf32> to vector<16xf32>
      %swap3A_54 = vector.shape_cast %broadcast_in_dim3A_49 : vector<16xf32> to vector<1x16xf32>
      tpu.vector_store %arg8[%swap3A_50, %swap3A_51], %swap3A_54 {strides = array<i32>} : memref<128x128xf32, #tpu.memory_space<vmem>>, vector<1x16xf32>,
      %broadcast_in_dim3A_55 = arith.constant 0.000000e+00 : f32
      %broadcast_in_dim3A_56 = vector.broadcast %broadcast_in_dim3A_55 : f32 to vector<16xf32>
      %swap3A_57 = arith.index_cast %add3A_28 : i32 to index
      %swap3A_58 = arith.constant 64 : index
      %swap3A_59 = tpu.vector_load %arg8[%swap3A_57, %swap3A_58] {strides = array<i32>} : memref<128x128xf32, #tpu.memory_space<vmem>>, vector<1x16xf32>,
      %swap3A_60 = vector.shape_cast %swap3A_59 : vector<1x16xf32> to vector<16xf32>
      %swap3A_61 = vector.shape_cast %broadcast_in_dim3A_56 : vector<16xf32> to vector<1x16xf32>
      tpu.vector_store %arg8[%swap3A_57, %swap3A_58], %swap3A_61 {strides = array<i32>} : memref<128x128xf32, #tpu.memory_space<vmem>>, vector<1x16xf32>,
      %broadcast_in_dim3A_62 = arith.constant 0.000000e+00 : f32
      %broadcast_in_dim3A_63 = vector.broadcast %broadcast_in_dim3A_62 : f32 to vector<16xf32>
      %swap3A_64 = arith.index_cast %add3A_28 : i32 to index
      %swap3A_65 = arith.constant 80 : index
      %swap3A_66 = tpu.vector_load %arg8[%swap3A_64, %swap3A_65] {strides = array<i32>} : memref<128x128xf32, #tpu.memory_space<vmem>>, vector<1x16xf32>,
      %swap3A_67 = vector.shape_cast %swap3A_66 : vector<1x16xf32> to vector<16xf32>
      %swap3A_68 = vector.shape_cast %broadcast_in_dim3A_63 : vector<16xf32> to vector<1x16xf32>
      tpu.vector_store %arg8[%swap3A_64, %swap3A_65], %swap3A_68 {strides = array<i32>} : memref<128x128xf32, #tpu.memory_space<vmem>>, vector<1x16xf32>,
      %broadcast_in_dim3A_69 = arith.constant 0.000000e+00 : f32
      %broadcast_in_dim3A_70 = vector.broadcast %broadcast_in_dim3A_69 : f32 to vector<16xf32>
      %swap3A_71 = arith.index_cast %add3A_28 : i32 to index
      %swap3A_72 = arith.constant 96 : index
      %swap3A_73 = tpu.vector_load %arg8[%swap3A_71, %swap3A_72] {strides = array<i32>} : memref<128x128xf32, #tpu.memory_space<vmem>>, vector<1x16xf32>,
      %swap3A_74 = vector.shape_cast %swap3A_73 : vector<1x16xf32> to vector<16xf32>
      %swap3A_75 = vector.shape_cast %broadcast_in_dim3A_70 : vector<16xf32> to vector<1x16xf32>
      tpu.vector_store %arg8[%swap3A_71, %swap3A_72], %swap3A_75 {strides = array<i32>} : memref<128x128xf32, #tpu.memory_space<vmem>>, vector<1x16xf32>,
      %broadcast_in_dim3A_76 = arith.constant 0.000000e+00 : f32
      %broadcast_in_dim3A_77 = vector.broadcast %broadcast_in_dim3A_76 : f32 to vector<16xf32>
      %swap3A_78 = arith.index_cast %add3A_28 : i32 to index
      %swap3A_79 = arith.constant 112 : index
      %swap3A_80 = tpu.vector_load %arg8[%swap3A_78, %swap3A_79] {strides = array<i32>} : memref<128x128xf32, #tpu.memory_space<vmem>>, vector<1x16xf32>,
      %swap3A_81 = vector.shape_cast %swap3A_80 : vector<1x16xf32> to vector<16xf32>
      %swap3A_82 = vector.shape_cast %broadcast_in_dim3A_77 : vector<16xf32> to vector<1x16xf32>
      tpu.vector_store %arg8[%swap3A_78, %swap3A_79], %swap3A_82 {strides = array<i32>} : memref<128x128xf32, #tpu.memory_space<vmem>>, vector<1x16xf32>,
    }
    %scan3A_4 = arith.constant 128 : i32
    %mul3A_5 = arith.constant 640 : i32
    %mul3A_6 = arith.muli %arg1, %mul3A_5 : i32
    %add3A_7 = arith.constant 0 : i32
    %add3A_8 = arith.addi %mul3A_6, %add3A_7 : i32
    "tpu.region"() ({
      %run_scoped3A = tpu.sem_alloc : memref<!tpu.dma_semaphore, #tpu.memory_space<semaphore_mem>>
      %dma_start3A = arith.constant 0 : i32
      %dma_start3A_24 = tpu.memref_slice %arg9[%add3A_8, %dma_start3A] : memref<10240x128xf32, #tpu.memory_space<vmem_shared>> -> memref<128x128xf32, #tpu.memory_space<vmem_shared>>
      %dma_start3A_25 = arith.constant 0 : i32
      %dma_start3A_26 = tpu.memref_slice %arg9[%add3A_8, %dma_start3A_25] : memref<10240x128xf32, #tpu.memory_space<vmem_shared>> -> memref<128x128xf32, #tpu.memory_space<vmem_shared>>
      tpu.enqueue_dma source(%arg8 : memref<128x128xf32, #tpu.memory_space<vmem>>) target(%dma_start3A_26 : memref<128x128xf32, #tpu.memory_space<vmem_shared>>) target_semaphore(%run_scoped3A : memref<!tpu.dma_semaphore, #tpu.memory_space<semaphore_mem>>)
      %dma_wait3A = arith.constant 0 : i32
      %dma_wait3A_27 = tpu.memref_slice %arg9[%add3A_8, %dma_wait3A] : memref<10240x128xf32, #tpu.memory_space<vmem_shared>> -> memref<128x128xf32, #tpu.memory_space<vmem_shared>>
      %dma_wait3A_28 = arith.constant 0 : i32
      %dma_wait3A_29 = tpu.memref_slice %arg9[%add3A_8, %dma_wait3A_28] : memref<10240x128xf32, #tpu.memory_space<vmem_shared>> -> memref<128x128xf32, #tpu.memory_space<vmem_shared>>
      tpu.wait_dma2 semaphore(%run_scoped3A : memref<!tpu.dma_semaphore, #tpu.memory_space<semaphore_mem>>) src(%arg8 : memref<128x128xf32, #tpu.memory_space<vmem>>) dst(%dma_wait3A_29 : memref<128x128xf32, #tpu.memory_space<vmem_shared>>)
      tpu.yield
    }) : () -> ()
    %add3A_9 = arith.constant 128 : i32
    %add3A_10 = arith.addi %mul3A_6, %add3A_9 : i32
    "tpu.region"() ({
      %run_scoped3A = tpu.sem_alloc : memref<!tpu.dma_semaphore, #tpu.memory_space<semaphore_mem>>
      %dma_start3A = arith.constant 0 : i32
      %dma_start3A_24 = tpu.memref_slice %arg9[%add3A_10, %dma_start3A] : memref<10240x128xf32, #tpu.memory_space<vmem_shared>> -> memref<128x128xf32, #tpu.memory_space<vmem_shared>>
      %dma_start3A_25 = arith.constant 0 : i32
      %dma_start3A_26 = tpu.memref_slice %arg9[%add3A_10, %dma_start3A_25] : memref<10240x128xf32, #tpu.memory_space<vmem_shared>> -> memref<128x128xf32, #tpu.memory_space<vmem_shared>>
      tpu.enqueue_dma source(%arg8 : memref<128x128xf32, #tpu.memory_space<vmem>>) target(%dma_start3A_26 : memref<128x128xf32, #tpu.memory_space<vmem_shared>>) target_semaphore(%run_scoped3A : memref<!tpu.dma_semaphore, #tpu.memory_space<semaphore_mem>>)
      %dma_wait3A = arith.constant 0 : i32
      %dma_wait3A_27 = tpu.memref_slice %arg9[%add3A_10, %dma_wait3A] : memref<10240x128xf32, #tpu.memory_space<vmem_shared>> -> memref<128x128xf32, #tpu.memory_space<vmem_shared>>
      %dma_wait3A_28 = arith.constant 0 : i32
      %dma_wait3A_29 = tpu.memref_slice %arg9[%add3A_10, %dma_wait3A_28] : memref<10240x128xf32, #tpu.memory_space<vmem_shared>> -> memref<128x128xf32, #tpu.memory_space<vmem_shared>>
      tpu.wait_dma2 semaphore(%run_scoped3A : memref<!tpu.dma_semaphore, #tpu.memory_space<semaphore_mem>>) src(%arg8 : memref<128x128xf32, #tpu.memory_space<vmem>>) dst(%dma_wait3A_29 : memref<128x128xf32, #tpu.memory_space<vmem_shared>>)
      tpu.yield
    }) : () -> ()
    %add3A_11 = arith.constant 256 : i32
    %add3A_12 = arith.addi %mul3A_6, %add3A_11 : i32
    "tpu.region"() ({
      %run_scoped3A = tpu.sem_alloc : memref<!tpu.dma_semaphore, #tpu.memory_space<semaphore_mem>>
      %dma_start3A = arith.constant 0 : i32
      %dma_start3A_24 = tpu.memref_slice %arg9[%add3A_12, %dma_start3A] : memref<10240x128xf32, #tpu.memory_space<vmem_shared>> -> memref<128x128xf32, #tpu.memory_space<vmem_shared>>
      %dma_start3A_25 = arith.constant 0 : i32
      %dma_start3A_26 = tpu.memref_slice %arg9[%add3A_12, %dma_start3A_25] : memref<10240x128xf32, #tpu.memory_space<vmem_shared>> -> memref<128x128xf32, #tpu.memory_space<vmem_shared>>
      tpu.enqueue_dma source(%arg8 : memref<128x128xf32, #tpu.memory_space<vmem>>) target(%dma_start3A_26 : memref<128x128xf32, #tpu.memory_space<vmem_shared>>) target_semaphore(%run_scoped3A : memref<!tpu.dma_semaphore, #tpu.memory_space<semaphore_mem>>)
      %dma_wait3A = arith.constant 0 : i32
      %dma_wait3A_27 = tpu.memref_slice %arg9[%add3A_12, %dma_wait3A] : memref<10240x128xf32, #tpu.memory_space<vmem_shared>> -> memref<128x128xf32, #tpu.memory_space<vmem_shared>>
      %dma_wait3A_28 = arith.constant 0 : i32
      %dma_wait3A_29 = tpu.memref_slice %arg9[%add3A_12, %dma_wait3A_28] : memref<10240x128xf32, #tpu.memory_space<vmem_shared>> -> memref<128x128xf32, #tpu.memory_space<vmem_shared>>
      tpu.wait_dma2 semaphore(%run_scoped3A : memref<!tpu.dma_semaphore, #tpu.memory_space<semaphore_mem>>) src(%arg8 : memref<128x128xf32, #tpu.memory_space<vmem>>) dst(%dma_wait3A_29 : memref<128x128xf32, #tpu.memory_space<vmem_shared>>)
      tpu.yield
    }) : () -> ()
    %add3A_13 = arith.constant 384 : i32
    %add3A_14 = arith.addi %mul3A_6, %add3A_13 : i32
    "tpu.region"() ({
      %run_scoped3A = tpu.sem_alloc : memref<!tpu.dma_semaphore, #tpu.memory_space<semaphore_mem>>
      %dma_start3A = arith.constant 0 : i32
      %dma_start3A_24 = tpu.memref_slice %arg9[%add3A_14, %dma_start3A] : memref<10240x128xf32, #tpu.memory_space<vmem_shared>> -> memref<128x128xf32, #tpu.memory_space<vmem_shared>>
      %dma_start3A_25 = arith.constant 0 : i32
      %dma_start3A_26 = tpu.memref_slice %arg9[%add3A_14, %dma_start3A_25] : memref<10240x128xf32, #tpu.memory_space<vmem_shared>> -> memref<128x128xf32, #tpu.memory_space<vmem_shared>>
      tpu.enqueue_dma source(%arg8 : memref<128x128xf32, #tpu.memory_space<vmem>>) target(%dma_start3A_26 : memref<128x128xf32, #tpu.memory_space<vmem_shared>>) target_semaphore(%run_scoped3A : memref<!tpu.dma_semaphore, #tpu.memory_space<semaphore_mem>>)
      %dma_wait3A = arith.constant 0 : i32
      %dma_wait3A_27 = tpu.memref_slice %arg9[%add3A_14, %dma_wait3A] : memref<10240x128xf32, #tpu.memory_space<vmem_shared>> -> memref<128x128xf32, #tpu.memory_space<vmem_shared>>
      %dma_wait3A_28 = arith.constant 0 : i32
      %dma_wait3A_29 = tpu.memref_slice %arg9[%add3A_14, %dma_wait3A_28] : memref<10240x128xf32, #tpu.memory_space<vmem_shared>> -> memref<128x128xf32, #tpu.memory_space<vmem_shared>>
      tpu.wait_dma2 semaphore(%run_scoped3A : memref<!tpu.dma_semaphore, #tpu.memory_space<semaphore_mem>>) src(%arg8 : memref<128x128xf32, #tpu.memory_space<vmem>>) dst(%dma_wait3A_29 : memref<128x128xf32, #tpu.memory_space<vmem_shared>>)
      tpu.yield
    }) : () -> ()
    %add3A_15 = arith.constant 512 : i32
    %add3A_16 = arith.addi %mul3A_6, %add3A_15 : i32
    "tpu.region"() ({
      %run_scoped3A = tpu.sem_alloc : memref<!tpu.dma_semaphore, #tpu.memory_space<semaphore_mem>>
      %dma_start3A = arith.constant 0 : i32
      %dma_start3A_24 = tpu.memref_slice %arg9[%add3A_16, %dma_start3A] : memref<10240x128xf32, #tpu.memory_space<vmem_shared>> -> memref<128x128xf32, #tpu.memory_space<vmem_shared>>
      %dma_start3A_25 = arith.constant 0 : i32
      %dma_start3A_26 = tpu.memref_slice %arg9[%add3A_16, %dma_start3A_25] : memref<10240x128xf32, #tpu.memory_space<vmem_shared>> -> memref<128x128xf32, #tpu.memory_space<vmem_shared>>
      tpu.enqueue_dma source(%arg8 : memref<128x128xf32, #tpu.memory_space<vmem>>) target(%dma_start3A_26 : memref<128x128xf32, #tpu.memory_space<vmem_shared>>) target_semaphore(%run_scoped3A : memref<!tpu.dma_semaphore, #tpu.memory_space<semaphore_mem>>)
      %dma_wait3A = arith.constant 0 : i32
      %dma_wait3A_27 = tpu.memref_slice %arg9[%add3A_16, %dma_wait3A] : memref<10240x128xf32, #tpu.memory_space<vmem_shared>> -> memref<128x128xf32, #tpu.memory_space<vmem_shared>>
      %dma_wait3A_28 = arith.constant 0 : i32
      %dma_wait3A_29 = tpu.memref_slice %arg9[%add3A_16, %dma_wait3A_28] : memref<10240x128xf32, #tpu.memory_space<vmem_shared>> -> memref<128x128xf32, #tpu.memory_space<vmem_shared>>
      tpu.wait_dma2 semaphore(%run_scoped3A : memref<!tpu.dma_semaphore, #tpu.memory_space<semaphore_mem>>) src(%arg8 : memref<128x128xf32, #tpu.memory_space<vmem>>) dst(%dma_wait3A_29 : memref<128x128xf32, #tpu.memory_space<vmem_shared>>)
      tpu.yield
    }) : () -> ()
    %barrier3A = arith.constant 0 : index
    tpu.barrier barrier_id(%barrier3A)
    "tpu.region"() ({
      %run_scoped3A = tpu.sem_alloc : memref<!tpu.dma_semaphore, #tpu.memory_space<semaphore_mem>>
      %dma_start3A = arith.constant 0 : i32
      %dma_start3A_24 = arith.constant 0 : i32
      %dma_start3A_25 = tpu.memref_slice %arg4[%add3A, %dma_start3A, %dma_start3A_24] : memref<32x79x128xi32, #tpu.memory_space<hbm>> -> memref<1x79x128xi32, #tpu.memory_space<hbm>>
      %dma_start3A_26 = tpu.memref_squeeze %dma_start3A_25 : memref<1x79x128xi32, #tpu.memory_space<hbm>> -> memref<79x128xi32, #tpu.memory_space<hbm>>
      %dma_start3A_27 = arith.constant 0 : i32
      %dma_start3A_28 = arith.constant 0 : i32
      %dma_start3A_29 = tpu.memref_slice %arg4[%add3A, %dma_start3A_27, %dma_start3A_28] : memref<32x79x128xi32, #tpu.memory_space<hbm>> -> memref<1x79x128xi32, #tpu.memory_space<hbm>>
      %dma_start3A_30 = tpu.memref_squeeze %dma_start3A_29 : memref<1x79x128xi32, #tpu.memory_space<hbm>> -> memref<79x128xi32, #tpu.memory_space<hbm>>
      tpu.enqueue_dma source(%dma_start3A_30 : memref<79x128xi32, #tpu.memory_space<hbm>>) target(%arg7 : memref<79x128xi32, #tpu.memory_space<vmem>>) target_semaphore(%run_scoped3A : memref<!tpu.dma_semaphore, #tpu.memory_space<semaphore_mem>>)
      %dma_wait3A = arith.constant 0 : i32
      %dma_wait3A_31 = arith.constant 0 : i32
      %dma_wait3A_32 = tpu.memref_slice %arg4[%add3A, %dma_wait3A, %dma_wait3A_31] : memref<32x79x128xi32, #tpu.memory_space<hbm>> -> memref<1x79x128xi32, #tpu.memory_space<hbm>>
      %dma_wait3A_33 = tpu.memref_squeeze %dma_wait3A_32 : memref<1x79x128xi32, #tpu.memory_space<hbm>> -> memref<79x128xi32, #tpu.memory_space<hbm>>
      %dma_wait3A_34 = arith.constant 0 : i32
      %dma_wait3A_35 = arith.constant 0 : i32
      %dma_wait3A_36 = tpu.memref_slice %arg4[%add3A, %dma_wait3A_34, %dma_wait3A_35] : memref<32x79x128xi32, #tpu.memory_space<hbm>> -> memref<1x79x128xi32, #tpu.memory_space<hbm>>
      %dma_wait3A_37 = tpu.memref_squeeze %dma_wait3A_36 : memref<1x79x128xi32, #tpu.memory_space<hbm>> -> memref<79x128xi32, #tpu.memory_space<hbm>>
      tpu.wait_dma2 semaphore(%run_scoped3A : memref<!tpu.dma_semaphore, #tpu.memory_space<semaphore_mem>>) src(%dma_wait3A_37 : memref<79x128xi32, #tpu.memory_space<hbm>>) dst(%arg7 : memref<79x128xi32, #tpu.memory_space<vmem>>)
      tpu.yield
    }) : () -> ()
    "tpu.region"() ({
      %run_scoped3A = tpu.sem_alloc : memref<!tpu.dma_semaphore, #tpu.memory_space<semaphore_mem>>
      %dma_start3A = arith.constant 0 : i32
      %dma_start3A_24 = arith.constant 0 : i32
      %dma_start3A_25 = tpu.memref_slice %arg3[%add3A, %dma_start3A, %dma_start3A_24] : memref<32x79x128xi32, #tpu.memory_space<hbm>> -> memref<1x79x128xi32, #tpu.memory_space<hbm>>
      %dma_start3A_26 = tpu.memref_squeeze %dma_start3A_25 : memref<1x79x128xi32, #tpu.memory_space<hbm>> -> memref<79x128xi32, #tpu.memory_space<hbm>>
      %dma_start3A_27 = arith.constant 0 : i32
      %dma_start3A_28 = arith.constant 0 : i32
      %dma_start3A_29 = tpu.memref_slice %arg3[%add3A, %dma_start3A_27, %dma_start3A_28] : memref<32x79x128xi32, #tpu.memory_space<hbm>> -> memref<1x79x128xi32, #tpu.memory_space<hbm>>
      %dma_start3A_30 = tpu.memref_squeeze %dma_start3A_29 : memref<1x79x128xi32, #tpu.memory_space<hbm>> -> memref<79x128xi32, #tpu.memory_space<hbm>>
      tpu.enqueue_dma source(%dma_start3A_30 : memref<79x128xi32, #tpu.memory_space<hbm>>) target(%arg6 : memref<79x128xi32, #tpu.memory_space<vmem>>) target_semaphore(%run_scoped3A : memref<!tpu.dma_semaphore, #tpu.memory_space<semaphore_mem>>)
      %dma_wait3A = arith.constant 0 : i32
      %dma_wait3A_31 = arith.constant 0 : i32
      %dma_wait3A_32 = tpu.memref_slice %arg3[%add3A, %dma_wait3A, %dma_wait3A_31] : memref<32x79x128xi32, #tpu.memory_space<hbm>> -> memref<1x79x128xi32, #tpu.memory_space<hbm>>
      %dma_wait3A_33 = tpu.memref_squeeze %dma_wait3A_32 : memref<1x79x128xi32, #tpu.memory_space<hbm>> -> memref<79x128xi32, #tpu.memory_space<hbm>>
      %dma_wait3A_34 = arith.constant 0 : i32
      %dma_wait3A_35 = arith.constant 0 : i32
      %dma_wait3A_36 = tpu.memref_slice %arg3[%add3A, %dma_wait3A_34, %dma_wait3A_35] : memref<32x79x128xi32, #tpu.memory_space<hbm>> -> memref<1x79x128xi32, #tpu.memory_space<hbm>>
      %dma_wait3A_37 = tpu.memref_squeeze %dma_wait3A_36 : memref<1x79x128xi32, #tpu.memory_space<hbm>> -> memref<79x128xi32, #tpu.memory_space<hbm>>
      tpu.wait_dma2 semaphore(%run_scoped3A : memref<!tpu.dma_semaphore, #tpu.memory_space<semaphore_mem>>) src(%dma_wait3A_37 : memref<79x128xi32, #tpu.memory_space<hbm>>) dst(%arg6 : memref<79x128xi32, #tpu.memory_space<vmem>>)
      tpu.yield
    }) : () -> ()
    %parallel_loop3A = arith.constant 0 : i32
    %parallel_loop3A_17 = arith.constant 79 : i32
    %parallel_loop3A_18 = arith.constant 1 : i32
    scf.for %parallel_loop3A_24 = %parallel_loop3A to %parallel_loop3A_17 step %parallel_loop3A_18  : i32 {
      %parallel_loop3A_25 = arith.constant 0 : i32
      %parallel_loop3A_26 = tpu.memref_slice %arg6[%parallel_loop3A_24, %parallel_loop3A_25] : memref<79x128xi32, #tpu.memory_space<vmem>> -> memref<1x128xi32, #tpu.memory_space<vmem>>
      %parallel_loop3A_27 = tpu.memref_squeeze %parallel_loop3A_26 : memref<1x128xi32, #tpu.memory_space<vmem>> -> memref<128xi32, #tpu.memory_space<vmem>>
      %parallel_loop3A_28 = arith.constant 0 : i32
      %parallel_loop3A_29 = arith.constant 0 : i32
      %parallel_loop3A_30 = tpu.memref_slice %arg2[%parallel_loop3A_28, %parallel_loop3A_29] : memref<10000x128xf32, #tpu.memory_space<hbm>> -> memref<10000x128xf32, #tpu.memory_space<hbm>>
      tpu.enqueue_indirect_dma source(%parallel_loop3A_30 : memref<10000x128xf32, #tpu.memory_space<hbm>>) target(%arg8 : memref<128x128xf32, #tpu.memory_space<vmem>>) offsets(%parallel_loop3A_27 : memref<128xi32, #tpu.memory_space<vmem>>) semaphore(%arg10 : memref<!tpu.dma_semaphore, #tpu.memory_space<semaphore_mem>>)
      %parallel_loop3A_31 = arith.constant 0 : i32
      %parallel_loop3A_32 = tpu.memref_slice %arg6[%parallel_loop3A_24, %parallel_loop3A_31] : memref<79x128xi32, #tpu.memory_space<vmem>> -> memref<1x128xi32, #tpu.memory_space<vmem>>
      %parallel_loop3A_33 = tpu.memref_squeeze %parallel_loop3A_32 : memref<1x128xi32, #tpu.memory_space<vmem>> -> memref<128xi32, #tpu.memory_space<vmem>>
      %parallel_loop3A_34 = arith.constant 0 : i32
      %parallel_loop3A_35 = arith.constant 0 : i32
      %parallel_loop3A_36 = tpu.memref_slice %arg2[%parallel_loop3A_34, %parallel_loop3A_35] : memref<10000x128xf32, #tpu.memory_space<hbm>> -> memref<10000x128xf32, #tpu.memory_space<hbm>>
      tpu.wait_indirect_dma semaphore(%arg10 : memref<!tpu.dma_semaphore, #tpu.memory_space<semaphore_mem>>) src(%parallel_loop3A_36 : memref<10000x128xf32, #tpu.memory_space<hbm>>) dst(%arg8 : memref<128x128xf32, #tpu.memory_space<vmem>>)
      "tpu.region"() ({
        %parallel_loop3A_37 = tpu.sem_alloc : memref<!tpu.dma_semaphore, #tpu.memory_space<semaphore_mem>>
        %parallel_loop3A_38 = arith.constant 0 : i32
        %parallel_loop3A_39 = tpu.memref_slice %arg7[%parallel_loop3A_24, %parallel_loop3A_38] : memref<79x128xi32, #tpu.memory_space<vmem>> -> memref<1x128xi32, #tpu.memory_space<vmem>>
        %parallel_loop3A_40 = tpu.memref_squeeze %parallel_loop3A_39 : memref<1x128xi32, #tpu.memory_space<vmem>> -> memref<128xi32, #tpu.memory_space<vmem>>
        %parallel_loop3A_41 = arith.constant 0 : i32
        %parallel_loop3A_42 = arith.constant 0 : i32
        %parallel_loop3A_43 = tpu.memref_slice %arg9[%parallel_loop3A_41, %parallel_loop3A_42] : memref<10240x128xf32, #tpu.memory_space<vmem_shared>> -> memref<10240x128xf32, #tpu.memory_space<vmem_shared>>
        tpu.enqueue_indirect_dma source(%arg8 : memref<128x128xf32, #tpu.memory_space<vmem>>) target(%parallel_loop3A_43 : memref<10240x128xf32, #tpu.memory_space<vmem_shared>>) offsets(%parallel_loop3A_40 : memref<128xi32, #tpu.memory_space<vmem>>) semaphore(%parallel_loop3A_37 : memref<!tpu.dma_semaphore, #tpu.memory_space<semaphore_mem>>) {add = true}
        %parallel_loop3A_44 = arith.constant 0 : i32
        %parallel_loop3A_45 = tpu.memref_slice %arg7[%parallel_loop3A_24, %parallel_loop3A_44] : memref<79x128xi32, #tpu.memory_space<vmem>> -> memref<1x128xi32, #tpu.memory_space<vmem>>
        %parallel_loop3A_46 = tpu.memref_squeeze %parallel_loop3A_45 : memref<1x128xi32, #tpu.memory_space<vmem>> -> memref<128xi32, #tpu.memory_space<vmem>>
        %parallel_loop3A_47 = arith.constant 0 : i32
        %parallel_loop3A_48 = arith.constant 0 : i32
        %parallel_loop3A_49 = tpu.memref_slice %arg9[%parallel_loop3A_47, %parallel_loop3A_48] : memref<10240x128xf32, #tpu.memory_space<vmem_shared>> -> memref<10240x128xf32, #tpu.memory_space<vmem_shared>>
        tpu.wait_indirect_dma semaphore(%parallel_loop3A_37 : memref<!tpu.dma_semaphore, #tpu.memory_space<semaphore_mem>>) src(%arg8 : memref<128x128xf32, #tpu.memory_space<vmem>>) dst(%parallel_loop3A_49 : memref<10240x128xf32, #tpu.memory_space<vmem_shared>>)
        tpu.yield
      }) : () -> ()
    } {sc.loop_unroll_factor = 2 : i64, sc.parallel_access}
    %barrier3A_19 = arith.constant 0 : index
    tpu.barrier barrier_id(%barrier3A_19)
    %mul3A_20 = arith.constant 640 : i32
    %mul3A_21 = arith.muli %arg1, %mul3A_20 : i32
    %mul3A_22 = arith.constant 640 : i32
    %mul3A_23 = arith.muli %arg1, %mul3A_22 : i32
    "tpu.region"() ({
      %run_scoped3A = tpu.sem_alloc : memref<!tpu.dma_semaphore, #tpu.memory_space<semaphore_mem>>
      %dma_start3A = arith.constant 0 : i32
      %dma_start3A_24 = tpu.memref_slice %arg5[%arg0, %mul3A_23, %dma_start3A] : memref<2x10240x128xf32, #tpu.memory_space<hbm>> -> memref<1x640x128xf32, #tpu.memory_space<hbm>>
      %dma_start3A_25 = tpu.memref_squeeze %dma_start3A_24 : memref<1x640x128xf32, #tpu.memory_space<hbm>> -> memref<640x128xf32, #tpu.memory_space<hbm>>
      %dma_start3A_26 = arith.constant 0 : i32
      %dma_start3A_27 = tpu.memref_slice %arg9[%mul3A_21, %dma_start3A_26] : memref<10240x128xf32, #tpu.memory_space<vmem_shared>> -> memref<640x128xf32, #tpu.memory_space<vmem_shared>>
      tpu.enqueue_dma source(%dma_start3A_27 : memref<640x128xf32, #tpu.memory_space<vmem_shared>>) target(%dma_start3A_25 : memref<640x128xf32, #tpu.memory_space<hbm>>) target_semaphore(%run_scoped3A : memref<!tpu.dma_semaphore, #tpu.memory_space<semaphore_mem>>)
      %dma_wait3A = arith.constant 0 : i32
      %dma_wait3A_28 = tpu.memref_slice %arg5[%arg0, %mul3A_23, %dma_wait3A] : memref<2x10240x128xf32, #tpu.memory_space<hbm>> -> memref<1x640x128xf32, #tpu.memory_space<hbm>>
      %dma_wait3A_29 = tpu.memref_squeeze %dma_wait3A_28 : memref<1x640x128xf32, #tpu.memory_space<hbm>> -> memref<640x128xf32, #tpu.memory_space<hbm>>
      %dma_wait3A_30 = arith.constant 0 : i32
      %dma_wait3A_31 = tpu.memref_slice %arg9[%mul3A_21, %dma_wait3A_30] : memref<10240x128xf32, #tpu.memory_space<vmem_shared>> -> memref<640x128xf32, #tpu.memory_space<vmem_shared>>
      tpu.wait_dma2 semaphore(%run_scoped3A : memref<!tpu.dma_semaphore, #tpu.memory_space<semaphore_mem>>) src(%dma_wait3A_31 : memref<640x128xf32, #tpu.memory_space<vmem_shared>>) dst(%dma_wait3A_29 : memref<640x128xf32, #tpu.memory_space<hbm>>)
      tpu.yield
    }) : () -> ()
    return
  }
}

module attributes {stable_mosaic.version = 14 : i64} {
  func.func @_tc_pre(%arg0: memref<10000x128xf32, #tpu.memory_space<vmem>>, %arg1: memref<128x128xf32, #tpu.memory_space<vmem>>, %arg2: memref<2x10240x128xf32, #tpu.memory_space<vmem>>, %arg3: memref<10000x128xf32, #tpu.memory_space<vmem>>, %arg4: memref<1x10000xf32, #tpu.memory_space<vmem>>) attributes {dimension_semantics = [], scalar_prefetch = 0 : i64, scratch_operands = 0 : i64, tpu.core_type = #tpu.core_type<tc>} {
    %get3A = arith.constant 0 : index
    %get3A_0 = arith.constant 0 : index
    %get3A_1 = arith.constant 0 : index
    %get3A_2 = vector.load %arg2[%get3A, %get3A_0, %get3A_1] : memref<2x10240x128xf32, #tpu.memory_space<vmem>>, vector<1x10000x1xf32>
    %get3A_3 = vector.shape_cast %get3A_2 : vector<1x10000x1xf32> to vector<10000xf32>
    %get3A_4 = arith.constant 1 : index
    %get3A_5 = arith.constant 0 : index
    %get3A_6 = arith.constant 0 : index
    %get3A_7 = vector.load %arg2[%get3A_4, %get3A_5, %get3A_6] : memref<2x10240x128xf32, #tpu.memory_space<vmem>>, vector<1x10000x1xf32>
    %get3A_8 = vector.shape_cast %get3A_7 : vector<1x10000x1xf32> to vector<10000xf32>
    %add3A = arith.addf %get3A_3, %get3A_8 : vector<10000xf32>
    %add3A_9 = arith.constant 1.000000e+00 : f32
    %add3A_10 = vector.broadcast %add3A_9 : f32 to vector<10000xf32>
    %add3A_11 = arith.addf %add3A, %add3A_10 : vector<10000xf32>
    %rsqrt3A = math.rsqrt %add3A_11 : vector<10000xf32>
    %get3A_12 = arith.constant 0 : index
    %get3A_13 = arith.constant 0 : index
    %get3A_14 = vector.load %arg0[%get3A_12, %get3A_13] : memref<10000x128xf32, #tpu.memory_space<vmem>>, vector<10000x128xf32>
    %get3A_15 = arith.constant 0 : index
    %get3A_16 = arith.constant 0 : index
    %get3A_17 = vector.load %arg1[%get3A_15, %get3A_16] : memref<128x128xf32, #tpu.memory_space<vmem>>, vector<128x128xf32>
    %dot_general3A = arith.constant dense<0.000000e+00> : vector<10000x128xf32>
    %dot_general3A_18 = tpu.matmul %get3A_14, %get3A_17, %dot_general3A {dimension_numbers = #tpu.dot_dimension_numbers<[1], [0], [0], [1], [0, 0, 1, 1], [], []>, precision = #tpu.contract_precision<fp32>, transpose_lhs_hint = false} : vector<10000x128xf32>, vector<128x128xf32>, vector<10000x128xf32> -> vector<10000x128xf32>
    %broadcast_in_dim3A = vector.shape_cast %rsqrt3A : vector<10000xf32> to vector<10000x1xf32>
    %mul3A = vector.broadcast %broadcast_in_dim3A : vector<10000x1xf32> to vector<10000x128xf32>
    %mul3A_19 = arith.mulf %dot_general3A_18, %mul3A : vector<10000x128xf32>
    %swap3A = arith.constant 0 : index
    %swap3A_20 = arith.constant 0 : index
    %swap3A_21 = vector.load %arg3[%swap3A, %swap3A_20] : memref<10000x128xf32, #tpu.memory_space<vmem>>, vector<10000x128xf32>
    tpu.vector_store %arg3[%swap3A, %swap3A_20], %mul3A_19 {strides = array<i32>} : memref<10000x128xf32, #tpu.memory_space<vmem>>, vector<10000x128xf32>,
    %reshape3A = vector.shape_cast %rsqrt3A : vector<10000xf32> to vector<1x10000xf32>
    %swap3A_22 = arith.constant 0 : index
    %swap3A_23 = arith.constant 0 : index
    %swap3A_24 = vector.load %arg4[%swap3A_22, %swap3A_23] : memref<1x10000xf32, #tpu.memory_space<vmem>>, vector<1x10000xf32>
    tpu.vector_store %arg4[%swap3A_22, %swap3A_23], %reshape3A {strides = array<i32>} : memref<1x10000xf32, #tpu.memory_space<vmem>>, vector<1x10000xf32>,
    return
  }
}

module attributes {stable_mosaic.version = 14 : i64} {
  func.func @_tc_mid(%arg0: memref<2x10240x128xf32, #tpu.memory_space<vmem>>, %arg1: memref<10000x128xf32, #tpu.memory_space<vmem>>, %arg2: memref<1x10000xf32, #tpu.memory_space<vmem>>, %arg3: memref<128xf32, #tpu.memory_space<vmem>>, %arg4: memref<128xf32, #tpu.memory_space<vmem>>, %arg5: memref<128xf32, #tpu.memory_space<vmem>>, %arg6: memref<128x128xf32, #tpu.memory_space<vmem>>, %arg7: memref<10000x128xf32, #tpu.memory_space<vmem>>) attributes {dimension_semantics = [], scalar_prefetch = 0 : i64, scratch_operands = 0 : i64, tpu.core_type = #tpu.core_type<tc>} {
    %get3A = arith.constant 0 : index
    %get3A_0 = arith.constant 0 : index
    %get3A_1 = vector.load %arg2[%get3A, %get3A_0] : memref<1x10000xf32, #tpu.memory_space<vmem>>, vector<1x10000xf32>
    %get3A_2 = vector.shape_cast %get3A_1 : vector<1x10000xf32> to vector<10000xf32>
    %get3A_3 = arith.constant 0 : index
    %get3A_4 = arith.constant 0 : index
    %get3A_5 = arith.constant 0 : index
    %get3A_6 = vector.load %arg0[%get3A_3, %get3A_4, %get3A_5] : memref<2x10240x128xf32, #tpu.memory_space<vmem>>, vector<1x10000x128xf32>
    %get3A_7 = vector.shape_cast %get3A_6 : vector<1x10000x128xf32> to vector<10000x128xf32>
    %get3A_8 = arith.constant 1 : index
    %get3A_9 = arith.constant 0 : index
    %get3A_10 = arith.constant 0 : index
    %get3A_11 = vector.load %arg0[%get3A_8, %get3A_9, %get3A_10] : memref<2x10240x128xf32, #tpu.memory_space<vmem>>, vector<1x10000x128xf32>
    %get3A_12 = vector.shape_cast %get3A_11 : vector<1x10000x128xf32> to vector<10000x128xf32>
    %add3A = arith.addf %get3A_7, %get3A_12 : vector<10000x128xf32>
    %get3A_13 = arith.constant 0 : index
    %get3A_14 = arith.constant 0 : index
    %get3A_15 = vector.load %arg1[%get3A_13, %get3A_14] : memref<10000x128xf32, #tpu.memory_space<vmem>>, vector<10000x128xf32>
    %add3A_16 = arith.addf %add3A, %get3A_15 : vector<10000x128xf32>
    %broadcast_in_dim3A = vector.shape_cast %get3A_2 : vector<10000xf32> to vector<10000x1xf32>
    %mul3A = vector.broadcast %broadcast_in_dim3A : vector<10000x1xf32> to vector<10000x128xf32>
    %mul3A_17 = arith.mulf %add3A_16, %mul3A : vector<10000x128xf32>
    %get3A_18 = arith.constant 0 : index
    %get3A_19 = vector.load %arg3[%get3A_18] : memref<128xf32, #tpu.memory_space<vmem>>, vector<128xf32>
    %broadcast_in_dim3A_20 = vector.shape_cast %get3A_19 : vector<128xf32> to vector<1x128xf32>
    %add3A_21 = vector.broadcast %broadcast_in_dim3A_20 : vector<1x128xf32> to vector<10000x128xf32>
    %add3A_22 = arith.addf %mul3A_17, %add3A_21 : vector<10000x128xf32>
    %reduce_sum3A = arith.constant dense<0.000000e+00> : vector<128xf32>
    %reduce_sum3A_23 = vector.multi_reduction <add>, %add3A_22, %reduce_sum3A [0] : vector<10000x128xf32> to vector<128xf32>
    %div3A = arith.constant 1.000000e+04 : f32
    %div3A_24 = vector.broadcast %div3A : f32 to vector<128xf32>
    %div3A_25 = arith.divf %reduce_sum3A_23, %div3A_24 : vector<128xf32>
    %broadcast_in_dim3A_26 = vector.shape_cast %div3A_25 : vector<128xf32> to vector<1x128xf32>
    %sub3A = vector.broadcast %broadcast_in_dim3A_26 : vector<1x128xf32> to vector<10000x128xf32>
    %sub3A_27 = arith.subf %add3A_22, %sub3A : vector<10000x128xf32>
    %mul3A_28 = arith.mulf %sub3A_27, %sub3A_27 : vector<10000x128xf32>
    %reduce_sum3A_29 = arith.constant dense<0.000000e+00> : vector<128xf32>
    %reduce_sum3A_30 = vector.multi_reduction <add>, %mul3A_28, %reduce_sum3A_29 [0] : vector<10000x128xf32> to vector<128xf32>
    %div3A_31 = arith.constant 1.000000e+04 : f32
    %div3A_32 = vector.broadcast %div3A_31 : f32 to vector<128xf32>
    %div3A_33 = arith.divf %reduce_sum3A_30, %div3A_32 : vector<128xf32>
    %get3A_34 = arith.constant 0 : index
    %get3A_35 = vector.load %arg4[%get3A_34] : memref<128xf32, #tpu.memory_space<vmem>>, vector<128xf32>
    %broadcast_in_dim3A_36 = vector.shape_cast %get3A_35 : vector<128xf32> to vector<1x128xf32>
    %mul3A_37 = vector.broadcast %broadcast_in_dim3A_36 : vector<1x128xf32> to vector<10000x128xf32>
    %mul3A_38 = arith.mulf %mul3A_37, %sub3A_27 : vector<10000x128xf32>
    %add3A_39 = arith.constant 9.99999974E-6 : f32
    %add3A_40 = vector.broadcast %add3A_39 : f32 to vector<128xf32>
    %add3A_41 = arith.addf %div3A_33, %add3A_40 : vector<128xf32>
    %sqrt3A = math.sqrt %add3A_41 : vector<128xf32>
    %broadcast_in_dim3A_42 = vector.shape_cast %sqrt3A : vector<128xf32> to vector<1x128xf32>
    %div3A_43 = vector.broadcast %broadcast_in_dim3A_42 : vector<1x128xf32> to vector<10000x128xf32>
    %div3A_44 = arith.divf %mul3A_38, %div3A_43 : vector<10000x128xf32>
    %get3A_45 = arith.constant 0 : index
    %get3A_46 = vector.load %arg5[%get3A_45] : memref<128xf32, #tpu.memory_space<vmem>>, vector<128xf32>
    %broadcast_in_dim3A_47 = vector.shape_cast %get3A_46 : vector<128xf32> to vector<1x128xf32>
    %add3A_48 = vector.broadcast %broadcast_in_dim3A_47 : vector<1x128xf32> to vector<10000x128xf32>
    %add3A_49 = arith.addf %div3A_44, %add3A_48 : vector<10000x128xf32>
    %max3A = arith.constant 0.000000e+00 : f32
    %max3A_50 = vector.broadcast %max3A : f32 to vector<10000x128xf32>
    %max3A_51 = arith.maximumf %add3A_49, %max3A_50 : vector<10000x128xf32>
    %get3A_52 = arith.constant 0 : index
    %get3A_53 = arith.constant 0 : index
    %get3A_54 = vector.load %arg6[%get3A_52, %get3A_53] : memref<128x128xf32, #tpu.memory_space<vmem>>, vector<128x128xf32>
    %dot_general3A = arith.constant dense<0.000000e+00> : vector<10000x128xf32>
    %dot_general3A_55 = tpu.matmul %max3A_51, %get3A_54, %dot_general3A {dimension_numbers = #tpu.dot_dimension_numbers<[1], [0], [0], [1], [0, 0, 1, 1], [], []>, precision = #tpu.contract_precision<fp32>, transpose_lhs_hint = false} : vector<10000x128xf32>, vector<128x128xf32>, vector<10000x128xf32> -> vector<10000x128xf32>
    %broadcast_in_dim3A_56 = vector.shape_cast %get3A_2 : vector<10000xf32> to vector<10000x1xf32>
    %mul3A_57 = vector.broadcast %broadcast_in_dim3A_56 : vector<10000x1xf32> to vector<10000x128xf32>
    %mul3A_58 = arith.mulf %dot_general3A_55, %mul3A_57 : vector<10000x128xf32>
    %swap3A = arith.constant 0 : index
    %swap3A_59 = arith.constant 0 : index
    %swap3A_60 = vector.load %arg7[%swap3A, %swap3A_59] : memref<10000x128xf32, #tpu.memory_space<vmem>>, vector<10000x128xf32>
    tpu.vector_store %arg7[%swap3A, %swap3A_59], %mul3A_58 {strides = array<i32>} : memref<10000x128xf32, #tpu.memory_space<vmem>>, vector<10000x128xf32>,
    return
  }
}

module attributes {stable_mosaic.version = 14 : i64} {
  func.func @_tc_post(%arg0: memref<2x10240x128xf32, #tpu.memory_space<vmem>>, %arg1: memref<10000x128xf32, #tpu.memory_space<vmem>>, %arg2: memref<1x10000xf32, #tpu.memory_space<vmem>>, %arg3: memref<128xf32, #tpu.memory_space<vmem>>, %arg4: memref<10000x128xf32, #tpu.memory_space<vmem>>) attributes {dimension_semantics = [], scalar_prefetch = 0 : i64, scratch_operands = 0 : i64, tpu.core_type = #tpu.core_type<tc>} {
    %get3A = arith.constant 0 : index
    %get3A_0 = arith.constant 0 : index
    %get3A_1 = vector.load %arg2[%get3A, %get3A_0] : memref<1x10000xf32, #tpu.memory_space<vmem>>, vector<1x10000xf32>
    %get3A_2 = vector.shape_cast %get3A_1 : vector<1x10000xf32> to vector<10000xf32>
    %get3A_3 = arith.constant 0 : index
    %get3A_4 = arith.constant 0 : index
    %get3A_5 = arith.constant 0 : index
    %get3A_6 = vector.load %arg0[%get3A_3, %get3A_4, %get3A_5] : memref<2x10240x128xf32, #tpu.memory_space<vmem>>, vector<1x10000x128xf32>
    %get3A_7 = vector.shape_cast %get3A_6 : vector<1x10000x128xf32> to vector<10000x128xf32>
    %get3A_8 = arith.constant 1 : index
    %get3A_9 = arith.constant 0 : index
    %get3A_10 = arith.constant 0 : index
    %get3A_11 = vector.load %arg0[%get3A_8, %get3A_9, %get3A_10] : memref<2x10240x128xf32, #tpu.memory_space<vmem>>, vector<1x10000x128xf32>
    %get3A_12 = vector.shape_cast %get3A_11 : vector<1x10000x128xf32> to vector<10000x128xf32>
    %add3A = arith.addf %get3A_7, %get3A_12 : vector<10000x128xf32>
    %get3A_13 = arith.constant 0 : index
    %get3A_14 = arith.constant 0 : index
    %get3A_15 = vector.load %arg1[%get3A_13, %get3A_14] : memref<10000x128xf32, #tpu.memory_space<vmem>>, vector<10000x128xf32>
    %add3A_16 = arith.addf %add3A, %get3A_15 : vector<10000x128xf32>
    %broadcast_in_dim3A = vector.shape_cast %get3A_2 : vector<10000xf32> to vector<10000x1xf32>
    %mul3A = vector.broadcast %broadcast_in_dim3A : vector<10000x1xf32> to vector<10000x128xf32>
    %mul3A_17 = arith.mulf %add3A_16, %mul3A : vector<10000x128xf32>
    %get3A_18 = arith.constant 0 : index
    %get3A_19 = vector.load %arg3[%get3A_18] : memref<128xf32, #tpu.memory_space<vmem>>, vector<128xf32>
    %broadcast_in_dim3A_20 = vector.shape_cast %get3A_19 : vector<128xf32> to vector<1x128xf32>
    %add3A_21 = vector.broadcast %broadcast_in_dim3A_20 : vector<1x128xf32> to vector<10000x128xf32>
    %add3A_22 = arith.addf %mul3A_17, %add3A_21 : vector<10000x128xf32>
    %swap3A = arith.constant 0 : index
    %swap3A_23 = arith.constant 0 : index
    %swap3A_24 = vector.load %arg4[%swap3A, %swap3A_23] : memref<10000x128xf32, #tpu.memory_space<vmem>>, vector<10000x128xf32>
    tpu.vector_store %arg4[%swap3A, %swap3A_23], %add3A_22 {strides = array<i32>} : memref<10000x128xf32, #tpu.memory_space<vmem>>, vector<10000x128xf32>,
    return
  }
}

</mosaic_0001>

<sc_bundles>
// kernel: kernel.11.cloned.1.call-start
scs
__scs_entry_jumppad:
0x0: {  	(pc) =	sbr.rel $0x88, $3  }
0x1: {  	(tag) =	ssettag $0x0;
	lr =	simm.s32 $0x1  }
0x2: {  	[smem:$0x3F99] =	sst lr;
	_ =	strace $0xD0000000  }
0x3: {  	_ = 	snop  }
0x4: {  	_ = 	snop  }
0x5: {  	_ = 	snop  }
0x6: {  	_ = 	snop  }
0x7: {  	_ = 	snop  }
__scs_overlays_trampoline_lowered:
0x8: {  	[smem:$0x3FA8] =	sst s0  }
0x9: {  	[smem:$0x3FA9] =	sst s1  }
0xa: {  	[smem:$0x3FAA] =	sst s2  }
0xb: {  	[smem:$0x3FAB] =	sst s3  }
0xc: {  	[smem:$0x3FAC] =	sst s4  }
0xd: {  	[smem:$0x3FAD] =	sst s5  }
0xe: {  	[smem:$0x3FAE] =	sst s6  }
0xf: {  	[smem:$0x3FAF] =	sst s7  }
0x10: {  	[smem:$0x3FB0] =	sst s8  }
0x11: {  	[smem:$0x3FB1] =	sst s9;
	s0 =	simm.s32 @!p0 $0x0  }
0x12: {  	s1 =	sld [smem:$0x3F97];
	s0 =	simm.s32 @p0 $0x1  }
0x13: {  	[smem:$0x3FB2] =	sst s0;
	s0 =	simm.s32 @!p1 $0x0  }
0x14: {  	s2 =	sld [smem:$0x3F96];
	s0 =	simm.s32 @p1 $0x1  }
0x15: {  	[smem:$0x3FB3] =	sst s0;
	s0 =	simm.s32 @!p2 $0x0  }
0x16: {  	s3 =	sld [smem:$0x3FDB];
	s0 =	simm.s32 @p2 $0x1  }
0x17: {  	s4 =	simm.s32 $0x1BF5;
	[smem:$0x3FB5] =	sst s0  }
0x18: {  	s0 =	sld [smem:$0x3F98];
	_ =	swait.ge [sflag:s4], $0x0  }
0x19: {  	s7 =	sld [smem:$0x3F99]  }
0x1a: {  	s8 =	sadd.s32 $0xFFFFE003, lr  }
0x1b: {  	s9 =	sadd.s32 $0xFFFFFEF7, lr;
	s5 =	simm.s32 $0xFFFFFFFF;
	p2 =	slt.u32 s8, $0xFFFFF086  }
0x1c: {  	p1 =	slt.u32 s9, $0xF7A;
	s5 =	simm.s32 @!p2 $0x0  }
0x1d: {  	s5 =	simm.s32 @p1 $0x1;
	p0 =	seq.s32 s7, s2  }
0x1e: {  	s7 =	smul.u32 @!p0 $0xF7A, s2;
	p2 =	seq.s32 @!p0 s5, $0x0  }
0x1f: {  	s9 =	smul.u32 $0xF7A, s1;
	s8 =	simm.s32 @!p0 $0x1BF5;
	p2 =	por !p2, p0  }
0x20: {  	[sflag:s8] =	ssyncset.s32 @!p0 $0xFFFFF086;
	s6 =	sadd.s32 @!p0 s3, s7;
	s7 =	simm.s32 @!p0 $0x108  }
0x21: {  	s3 =	sadd.s32 s3, s9;
	s6 =	sadd.s32 @!p0 $0x88, s6;
	s7 =	simm.s32 @p2 $0x1082  }
0x22: {  	[simem:s7], [sflag:s8] =	dma.local @!p0 [hbm:s6], $0xF7A  }
0x23: {  	s9 =	sor.u32 $0xD0000000, s2;
	s6 =	simm.s32 $0x108;
	_ =	swait.ge @!p0 [sflag:s8], $0x0  }
0x24: {  	s3 =	sadd.s32 $0x88, s3;
	s6 =	simm.s32 @!p1 $0x1082;
	[sflag:s4] =	ssyncset.s32 $0xFFFFF086  }
0x25: {  	[simem:s6], [sflag:s4] =	dma.local [hbm:s3], $0xF7A  }
0x26: {  	[smem:$0x3F99] =	sst s1;
	(tag) =	ssettag s2;
	_ =	strace s9  }
0x27: {  	s1 =	sld [smem:$0x3FA9]  }
0x28: {  	s2 =	sld [smem:$0x3FAA]  }
0x29: {  	s4 =	sld [smem:$0x3FAC]  }
0x2a: {  	p0 =	seq.s32 s5, $0x0;
	s5 =	sld [smem:$0x3FAD]  }
0x2b: {  	s6 =	sld [smem:$0x3FAE]  }
0x2c: {  	s7 =	sld [smem:$0x3FAF]  }
0x2d: {  	s3 =	simm.s32 $0x108;
	s8 =	sld [smem:$0x3FB0]  }
0x2e: {  	s3 =	simm.s32 @!p0 $0x1082;
	s9 =	sld [smem:$0x3FB1]  }
0x2f: {  	lr =	sadd.s32 s0, s3;
	s0 =	sld [smem:$0x3FA8]  }
0x30: {  	s3 =	sld [smem:$0x3FAB]  }
0x31: {  	[smem:$0x3FB4] =	sst s10  }
0x32: {  	s10 =	sld [smem:$0x3FB2];
	_ =	sdelay $0x3  }
0x33: {  	p0 =	seq.s32 s10, $0x1;
	s10 =	sld [smem:$0x3FB4];
	_ =	sdelay $0x3  }
0x34: {  	[smem:$0x3FB4] =	sst s10  }
0x35: {  	s10 =	sld [smem:$0x3FB3];
	_ =	sdelay $0x3  }
0x36: {  	p1 =	seq.s32 s10, $0x1;
	s10 =	sld [smem:$0x3FB4];
	_ =	sdelay $0x3  }
0x37: {  	[smem:$0x3FB4] =	sst s10  }
0x38: {  	s10 =	sld [smem:$0x3FB5]  }
0x39: {  	_ = 	snop;
	(pc) =	sbr.ind lr, $3  }
0x3a: {  	_ = 	snop  }
0x3b: {  	_ = 	snop  }
0x3c: {  	p2 =	seq.s32 s10, $0x1;
	s10 =	sld [smem:$0x3FB4]  }
0x3d: {  	_ =	shalt  }
0x3e: {  	_ =	shalt  }
0x3f: {  	_ =	shalt  }
0x40: {  	_ =	shalt  }
0x41: {  	_ =	shalt  }
0x42: {  	_ =	shalt  }
0x43: {  	_ =	shalt  }
0x44: {  	_ =	shalt  }
0x45: {  	_ =	shalt  }
0x46: {  	_ =	shalt  }
0x47: {  	_ =	shalt  }
0x48: {  	_ =	shalt  }
0x49: {  	_ =	shalt  }
0x4a: {  	_ =	shalt  }
0x4b: {  	_ =	shalt  }
0x4c: {  	_ =	shalt  }
0x4d: {  	_ =	shalt  }
0x4e: {  	_ =	shalt  }
0x4f: {  	_ =	shalt  }
0x50: {  	_ =	shalt  }
0x51: {  	_ =	shalt  }
0x52: {  	_ =	shalt  }
0x53: {  	_ =	shalt  }
0x54: {  	_ =	shalt  }
0x55: {  	_ =	shalt  }
0x56: {  	_ =	shalt  }
0x57: {  	_ =	shalt  }
0x58: {  	_ =	shalt  }
0x59: {  	_ =	shalt  }
0x5a: {  	_ =	shalt  }
0x5b: {  	_ =	shalt  }
0x5c: {  	_ =	shalt  }
0x5d: {  	_ =	shalt  }
0x5e: {  	_ =	shalt  }
0x5f: {  	_ =	shalt  }
0x60: {  	_ =	shalt  }
0x61: {  	_ =	shalt  }
0x62: {  	_ =	shalt  }
0x63: {  	_ =	shalt  }
0x64: {  	_ =	shalt  }
0x65: {  	_ =	shalt  }
0x66: {  	_ =	shalt  }
0x67: {  	_ =	shalt  }
0x68: {  	_ =	shalt  }
0x69: {  	_ =	shalt  }
0x6a: {  	_ =	shalt  }
0x6b: {  	_ =	shalt  }
0x6c: {  	_ =	shalt  }
0x6d: {  	_ =	shalt  }
0x6e: {  	_ =	shalt  }
0x6f: {  	_ =	shalt  }
0x70: {  	_ =	shalt  }
0x71: {  	_ =	shalt  }
0x72: {  	_ =	shalt  }
0x73: {  	_ =	shalt  }
0x74: {  	_ =	shalt  }
0x75: {  	_ =	shalt  }
0x76: {  	_ =	shalt  }
0x77: {  	_ =	shalt  }
0x78: {  	_ =	shalt  }
0x79: {  	_ =	shalt  }
0x7a: {  	_ =	shalt  }
0x7b: {  	_ =	shalt  }
0x7c: {  	_ =	shalt  }
0x7d: {  	_ =	shalt  }
0x7e: {  	_ =	shalt  }
0x7f: {  	_ =	shalt  }
0x80: {  	_ =	shalt  }
0x81: {  	_ =	shalt  }
0x82: {  	_ =	shalt  }
0x83: {  	_ =	shalt  }
0x84: {  	_ =	shalt  }
0x85: {  	_ =	shalt  }
0x86: {  	_ =	shalt  }
0x87: {  	_ =	shalt  }
.Lfunc_end0:
.L_simem_size_0:
called_computation.1_lowered:
.L_overlay_start_0:
0x88: {  	s2 =	sld [smem:$0x3FD9]  }
0x89: {  	s3 =	sld [smem:$0x3FFE];
	_ =	sdelay $0x1  }
0x8a: {  	s1 =	srdreg.scid  }
0x8b: {  	s0 =	sand.u32 $0x1, s1  }
0x8c: {  	s17 =	sshll.u32 s0, $0xA;
	s2 =	sadd.s32 s3, s2  }
0x8d: {  	s2 =	sadd.s32 s2, s17  }
0x8e: {  	[smem:$0x3FC0] =	sst s2  }
0x8f: {  	_ = 	snop  }
0x90: {  	s2 =	sld [smem:$0x3FD0];
	(tm) =	ssettm $0x1  }
0x91: {  	s18 =	sld [smem:$0x3FFB];
	_ =	sdelay $0x3  }
0x92: {  	_ =	strace s18  }
0x93: {  	s3 =	sld [smem:$0x3FFC];
	_ =	sdelay $0x3  }
0x94: {  	_ =	strace s3  }
0x95: {  	s3 =	sld [smem:$0x3FFD];
	_ =	sdelay $0x3  }
0x96: {  	_ =	strace s3  }
0x97: {  	_ =	strace $0x8FFFFFFF  }
0x98: {  	s19 =	sld [smem:$0x3FDB];
	_ =	sdelay $0x1  }
0x99: {  	s4 =	simm.s32 $_scs_section_size  }
0x9a: {  	s5 =	simm.s32 $_size__tile_overlayer_lowered;
	s6 =	simm.s32 $_tile_overlayer_lowered  }
0x9b: {  	s22 =	simm.s32 $0x1BFF;
	s21 =	sshll.u32 s6, $0x1;
	s3 =	sadd.s32 s4, s19  }
0x9c: {  	s7 =	simm.s32 $0x0;
	s20 =	sshll.u32 s5, $0x1;
	s5 =	sadd.s32 s21, s3  }
0x9d: {  	[timem:s7], [sflag:s22] =	dma.local [hbm:s5], s20  }
0x9e: {  	_ =	swait.ge [sflag:s22], s20  }
0x9f: {  	s4 =	ssub.s32 $0x0, s20;
	[sflag:s22] =	ssyncset.done $0x0  }
0xa0: {  	[sflag:s22] =	ssyncadd.s32 s4;
	_ =	sdelay $0x1  }
0xa1: {  	s23 =	simm.s32 $0x1B8B  }
0xa2: {  	_ =	swait.ge [sflag:s23], $0x1  }
0xa3: {  	[sflag:s23] =	ssyncset.done $0x0  }
0xa4: {  	s25 =	simm.s32 $0x1B8E;
	s24 =	sld [smem:$0x3FFE];
	[sflag:s23] =	ssyncadd.s32 $0xFFFFFFFF  }
0xa5: {  	s26 =	simm.s32 $execute0_lowered;
	[smem:$0x3FD2] =	sst s25  }
0xa6: {  	s5 =	sshll.u32 s26, $0x1;
	_ =	strace $0x80000049;
	[dreg:$0x1] =	wrdreg $0xFFFFFFFF  }
0xa7: {  	s28 =	simm.s32 $_size_execute0_lowered;
	s3 =	sadd.s32 s3, s5;
	[dreg:$0x0] =	wrdreg $0x0  }
0xa8: {  	s5 =	sshll.u32 s28, $0x1;
	[dreg:$0x2] =	wrdreg s3  }
0xa9: {  	[dreg:$0x3] =	wrdreg s5  }
0xaa: {  	[dreg:$0x4] =	wrdreg $0xC0  }
0xab: {  	_ =	task [dreg:s7], $0x5FFFF  }
0xac: {  	[dreg:$0x1] =	wrdreg $0xFFFFFFFF  }
0xad: {  	[dreg:$0x0] =	wrdreg $0x60  }
0xae: {  	[dreg:$0x2] =	wrdreg s2  }
0xaf: {  	[dreg:$0x3] =	wrdreg s24  }
0xb0: {  	[dreg:$0x4] =	wrdreg $0x90000  }
0xb1: {  	[dreg:$0x5] =	wrdreg $0x9  }
0xb2: {  	_ =	task.clear_ibuf [dreg:s7], $0x6FFFF;
	_ =	strace $0x90000049  }
0xb3: {  	s29 =	simm.s32 $0x9;
	_ =	strace $0x8000004B  }
0xb4: {  	_ =	swait.ge [sflag:s29], $0x1  }
0xb5: {  	[sflag:s29] =	ssyncadd.s32 $0xFFFFFFFF  }
0xb6: {  	_ =	strace $0x9000004B  }
0xb7: {  	_ =	sfence  }
0xb8: {  	s30 =	sld [smem:$0x0];
	_ =	sdelay $0x2  }
0xb9: {  	s31 =	sshll.u32 s1, $0xD;
	s1 =	sshrl.u32 s1, $0x2  }
0xba: {  	s3 =	sand.u32 $0x4000, s31;
	s1 =	sadd.s32 s1, s30  }
0xbb: {  	s0 =	sor.u32 s3, s0;
	s1 =	sshll.u32 s1, $0x11  }
0xbc: {  	s0 =	sor.u32 s1, s0  }
0xbd: {  	s0 =	sadd.s32 $0x8F2B, s0  }
0xbe: {  	[sflag:s0] =	ssyncadd.remote.s32 $0x1  }
0xbf: {  	_ =	sfence.sel $0xFFFF  }
0xc0: {  	[dreg:$0x0] =	wrdreg $0xFFFFFFFF;
	(pc) =	sbr.abs _section_cstart, $3  }
0xc1: {  	[dreg:$0x1] =	wrdreg $0xFFFFFFFF  }
0xc2: {  	_ =	task.clear_ibuf [dreg:s7], $0x2FFFF;
	_ =	strace $0x9FFFFFFF  }
0xc3: {  	(tm) =	ssettm $0x7FFFFFFF  }
tec
execute0_lowered:
.L_overlay_start_1:
0x0: {  	(tag) =	ssettag $0x1  }
0x1: {  	s2 =	rddreg [dreg:$0x0]  }
0x2: {  	s6 =	rddreg [dreg:$0x1]  }
0x3: {  	s0 =	srdreg.scid;
	s3 =	rddreg [dreg:$0x2];
	s4 =	simm.s32 $0x0  }
0x4: {  	s14 =	simm.s32 $0x5000;
	s15 =	simm.s32 $0x2;
	s16 =	simm.s32 $0x2800  }
0x5: {  	s17 =	simm.s32 $0x80;
	s18 =	simm.s32 $0x1;
	s19 =	simm.s32 $0x2700  }
0x6: {  	s20 =	simm.s32 $0x4F00;
	s5 =	sand.u32 $0x1, s0;
	s0 =	stileid.u32  }
0x7: {  	s21 =	simm.s32 $0x0;
	[smem:$0x7FF] =	sst s4;
	s8 =	smul.u32 $0x140000, s5  }
0x8: {  	s1 =	sshll.u32 s5, $0x4;
	s9 =	smul.u32 $0x14000, s0;
	s29 =	ssub.s32 $0x2, s5  }
0x9: {  	s10 =	smul.u32 $0x50000, s0;
	s1 =	sor.u32 s0, s1;
	s31 =	sshrl.u32 s29, $0x1  }
0xa: {  	s7 =	smul.u32 $0x500, s1;
	s1 =	rddreg [dreg:$0x3];
	_ =	strace $0x8000004A  }
0xb: {  	s28 =	sadd.s32 s9, s8;
	s30 =	sshrl.u32 s10, $0x2;
	s13 =	ssub.s32 s29, s31  }
0xc: {  	s5 =	sadd.s32 s30, s3;
	s13 =	smax.u32 s13, $0x1;
	s11 =	sadd.s32 s7, s6  }
0xd: {  	s7 =	sshrl.u32 s28, $0x3;
	s8 =	sadd.s32 $0xC000, s5;
	s9 =	sadd.s32 $0x10000, s5  }
0xe: {  	s12 =	sadd.s32 s7, s6;
	s6 =	sadd.s32 $0x4000, s5;
	s7 =	sadd.s32 $0x8000, s5  }
0xf: {  	v0 =	vimm.f32 $0.0e+00;
	s10 =	sadd.s32 $0x2E00, s11;
	s11 =	sadd.s32 $0x5CE00, s11;
	s12 =	sadd.s32 $0xCE00, s12  }
.LBB2_1:
0x10: {  	s22 =	simm.s32 $0x0;
	s23 =	simm.s32 $0x200  }
.LBB2_2:
0x11: {  	p0 =	sne.s32 s23, $0xFE00;
	[tilespmem:s22+$0x5070] =	vst v0  }
0x12: {  	[tilespmem:s22+$0x5000] =	vst v0  }
0x13: {  	[tilespmem:s22+$0x5010] =	vst v0  }
.Ltmp0:
0x14: {  	[tilespmem:s22+$0x5020] =	vst v0;
	(pc) =	sbr.rel @p0 .LBB2_2-.Ltmp0, $4  }
0x15: {  	[tilespmem:s22+$0x5030] =	vst v0  }
0x16: {  	[tilespmem:s22+$0x5040] =	vst v0  }
0x17: {  	[tilespmem:s22+$0x5050] =	vst v0  }
0x18: {  	[tilespmem:s22+$0x5060] =	vst v0;
	s22 =	sshra.s32 s23, $0x2;
	s23 =	sadd.s32 $0x200, s23  }
0x19: {  	[tilespmem:s22+$0x5070] =	vst v0  }
0x1a: {  	[tilespmem:s22+$0x5000] =	vst v0  }
0x1b: {  	[tilespmem:s22+$0x5010] =	vst v0  }
0x1c: {  	[tilespmem:s22+$0x5020] =	vst v0  }
0x1d: {  	[tilespmem:s22+$0x5030] =	vst v0  }
0x1e: {  	[tilespmem:s22+$0x5040] =	vst v0  }
0x1f: {  	[tilespmem:s22+$0x5050] =	vst v0  }
0x20: {  	[tilespmem:s22+$0x5060] =	vst v0  }
0x21: {  	[spmem:s5] =	stream.linear.scatter [tilespmem:s14], [sflag:$0x2], $0x4000, $0x38;
	[tilespmem:$0x1D000] =	vst v63  }
0x22: {  	_ =	swait.ge [sflag:s15], $0x4000  }
0x23: {  	[sflag:s15] =	ssyncset.done $0x0  }
0x24: {  	[sflag:s15] =	ssyncadd.s32 $0xFFFFC000  }
0x25: {  	[spmem:s6] =	stream.linear.scatter [tilespmem:s14], [sflag:$0x2], $0x4000, $0x38;
	[tilespmem:$0x1D000] =	vst v63  }
0x26: {  	_ =	swait.ge [sflag:s15], $0x4000  }
0x27: {  	[sflag:s15] =	ssyncset.done $0x0  }
0x28: {  	[sflag:s15] =	ssyncadd.s32 $0xFFFFC000  }
0x29: {  	[spmem:s7] =	stream.linear.scatter [tilespmem:s14], [sflag:$0x2], $0x4000, $0x38;
	[tilespmem:$0x1D000] =	vst v63  }
0x2a: {  	_ =	swait.ge [sflag:s15], $0x4000  }
0x2b: {  	[sflag:s15] =	ssyncset.done $0x0  }
0x2c: {  	[sflag:s15] =	ssyncadd.s32 $0xFFFFC000  }
0x2d: {  	[spmem:s8] =	stream.linear.scatter [tilespmem:s14], [sflag:$0x2], $0x4000, $0x38;
	[tilespmem:$0x1D000] =	vst v63  }
0x2e: {  	_ =	swait.ge [sflag:s15], $0x4000  }
0x2f: {  	[sflag:s15] =	ssyncset.done $0x0  }
0x30: {  	[sflag:s15] =	ssyncadd.s32 $0xFFFFC000  }
0x31: {  	[spmem:s9] =	stream.linear.scatter [tilespmem:s14], [sflag:$0x2], $0x4000, $0x38;
	[tilespmem:$0x1D000] =	vst v63  }
0x32: {  	_ =	swait.ge [sflag:s15], $0x4000  }
0x33: {  	[sflag:s15] =	ssyncset.done $0x0  }
0x34: {  	[sflag:s15] =	ssyncadd.s32 $0xFFFFC000  }
0x35: {  	[bflag:$0x0] =	sbarrier.arrive $0xFFFF  }
0x36: {  	[tilespmem:s16], [sflag:$0x2] =	stream.linear.gather [hbm4b:s10+s4], $0x2780, $0x38;
	[tilespmem:$0x1D000] =	vst v63  }
0x37: {  	_ =	swait.ge [sflag:s15], $0x2780  }
0x38: {  	[sflag:s15] =	ssyncset.done $0x0  }
0x39: {  	[sflag:s15] =	ssyncadd.s32 $0xFFFFD880  }
0x3a: {  	[tilespmem:s4], [sflag:$0x2] =	stream.linear.gather [hbm4b:s11+s4], $0x2780, $0x38;
	[tilespmem:$0x1D000] =	vst v63  }
0x3b: {  	_ =	swait.ge [sflag:s15], $0x2780  }
0x3c: {  	[sflag:s15] =	ssyncset.done $0x0  }
0x3d: {  	s29 =	simm.s32 $0x0;
	[sflag:s15] =	ssyncadd.s32 $0xFFFFD880  }
0x3e: {  	[tilespmem:s14], [sflag:$0x1] =	stream.indirect.gather [hbm4b:s2+s17], $0x80, s29, s17, $0xb8;
	[tilespmem:$0x1D000] =	vst v63  }
0x3f: {  	_ =	swait.ge [sflag:s18], $0x4000  }
0x40: {  	[sflag:s18] =	ssyncset.done $0x0  }
0x41: {  	s30 =	simm.s32 $0x2800;
	[sflag:s18] =	ssyncadd.s32 $0xFFFFC000  }
0x42: {  	[spmem:s3] =	stream.indirect.scatter.add.f32 [tilespmem:s14], [sflag:$0x2], $0x80, s30, s17, $0xb8;
	[tilespmem:$0x1D000] =	vst v63  }
0x43: {  	_ =	swait.ge [sflag:s15], $0x4000  }
0x44: {  	[sflag:s15] =	ssyncset.done $0x0  }
0x45: {  	s31 =	simm.s32 $0x80;
	[sflag:s15] =	ssyncadd.s32 $0xFFFFC000  }
0x46: {  	[tilespmem:s14], [sflag:$0x1] =	stream.indirect.gather [hbm4b:s2+s17], $0x80, s31, s17, $0xb8;
	[tilespmem:$0x1D000] =	vst v63  }
0x47: {  	_ =	swait.ge [sflag:s18], $0x4000  }
0x48: {  	[sflag:s18] =	ssyncset.done $0x0  }
0x49: {  	s22 =	simm.s32 $0x2880;
	[sflag:s18] =	ssyncadd.s32 $0xFFFFC000  }
0x4a: {  	[spmem:s3] =	stream.indirect.scatter.add.f32 [tilespmem:s14], [sflag:$0x2], $0x80, s22, s17, $0xb8;
	[tilespmem:$0x1D000] =	vst v63  }
0x4b: {  	_ =	swait.ge [sflag:s15], $0x4000  }
0x4c: {  	s23 =	simm.s32 $0x0;
	s24 =	simm.s32 $0x180;
	[sflag:s15] =	ssyncset.done $0x0  }
.LBB2_4:
0x4d: {  	s25 =	sadd.s32 $0xFFFFFF80, s24;
	[sflag:s15] =	ssyncadd.s32 $0xFFFFC000  }
0x4e: {  	[tilespmem:s14], [sflag:$0x1] =	stream.indirect.gather [hbm4b:s2+s17], $0x80, s25, s17, $0xb8;
	[tilespmem:$0x1D000] =	vst v63  }
0x4f: {  	_ =	swait.ge [sflag:s18], $0x4000  }
0x50: {  	s22 =	sadd.s32 $0x100, s22;
	[sflag:s18] =	ssyncset.done $0x0  }
0x51: {  	s25 =	sadd.s32 $0xFFFFFF80, s22;
	[sflag:s18] =	ssyncadd.s32 $0xFFFFC000  }
0x52: {  	[spmem:s3] =	stream.indirect.scatter.add.f32 [tilespmem:s14], [sflag:$0x2], $0x80, s25, s17, $0xb8;
	[tilespmem:$0x1D000] =	vst v63  }
0x53: {  	_ =	swait.ge [sflag:s15], $0x4000  }
0x54: {  	s23 =	sadd.s32 $0x2, s23;
	[sflag:s15] =	ssyncset.done $0x0  }
0x55: {  	p0 =	slt.u32 s23, $0x4C;
	[sflag:s15] =	ssyncadd.s32 $0xFFFFC000  }
0x56: {  	[tilespmem:s14], [sflag:$0x1] =	stream.indirect.gather [hbm4b:s2+s17], $0x80, s24, s17, $0xb8;
	[tilespmem:$0x1D000] =	vst v63  }
0x57: {  	_ =	swait.ge [sflag:s18], $0x4000  }
.Ltmp1:
0x58: {  	[sflag:s18] =	ssyncset.done $0x0;
	(pc) =	sbr.rel @p0 .LBB2_4-.Ltmp1, $4  }
0x59: {  	[sflag:s18] =	ssyncadd.s32 $0xFFFFC000  }
0x5a: {  	[spmem:s3] =	stream.indirect.scatter.add.f32 [tilespmem:s14], [sflag:$0x2], $0x80, s22, s17, $0xb8;
	[tilespmem:$0x1D000] =	vst v63  }
0x5b: {  	_ =	swait.ge [sflag:s15], $0x4000  }
0x5c: {  	s24 =	sadd.s32 $0x100, s24;
	[sflag:s15] =	ssyncset.done $0x0  }
0x5d: {  	[sflag:s15] =	ssyncadd.s32 $0xFFFFC000  }
0x5e: {  	[tilespmem:s14], [sflag:$0x1] =	stream.indirect.gather [hbm4b:s2+s17], $0x80, s19, s17, $0xb8;
	[tilespmem:$0x1D000] =	vst v63  }
0x5f: {  	_ =	swait.ge [sflag:s18], $0x4000  }
0x60: {  	[sflag:s18] =	ssyncset.done $0x0  }
0x61: {  	[sflag:s18] =	ssyncadd.s32 $0xFFFFC000  }
0x62: {  	[spmem:s3] =	stream.indirect.scatter.add.f32 [tilespmem:s14], [sflag:$0x2], $0x80, s20, s17, $0xb8;
	[tilespmem:$0x1D000] =	vst v63  }
0x63: {  	_ =	swait.ge [sflag:s15], $0x4000  }
0x64: {  	s22 =	sshll.u32 s0, $0x6;
	s21 =	sadd.s32 $0x1, s21;
	[sflag:s15] =	ssyncset.done $0x0  }
0x65: {  	s23 =	sshrl.u32 s5, $0x3;
	p0 =	sne.s32 s21, s13;
	[sflag:s15] =	ssyncadd.s32 $0xFFFFC000  }
.Ltmp2:
0x66: {  	s22 =	sor.u32 $0x1C02, s22;
	[bflag:$0x0] =	sbarrier.arrive $0xFFFF;
	(pc) =	sbr.rel @p0 .LBB2_1-.Ltmp2, $4  }
0x67: {  	[hbm:s12], [sflag:s22] =	dma.local [spmem:s23], $0x2800  }
0x68: {  	_ =	swait.ge [sflag:s15], $0x2800  }
0x69: {  	[sflag:s15] =	ssyncset.done $0x0  }
0x6a: {  	[sflag:s15] =	ssyncadd.s32 $0xFFFFD800  }
0x6b: {  	_ =	sfence.sel $0x180000  }
0x6c: {  	[bflag:$0x0] =	sbarrier.arrive $0xFFFF  }
0x6d: {  	p0 =	sne.s32 s0, $0x0;
	_ =	strace $0x9000004A  }
0x6e: {  	s0 =	sadd.s32 @!p0 $0x100000, s1;
	[bflag:$0x2] =	sbarrier.arrive $0xFFFF  }
0x6f: {  	[sflag:s0] =	ssyncadd.tile.s32 @!p0 $0x1;
	_ =	shalt  }
.Lfunc_end2:
_tile_overlayer_lowered:
.L_overlay_start_2:
0x70: {  	(tag) =	ssettag $0x2  }
0x71: {  	s0 =	rddreg [dreg:$0x0];
	s2 =	stileid.u32  }
0x72: {  	s1 =	rddreg [dreg:$0x1];
	p0 =	sne.s32 s2, $0x0  }
0x73: {  	s3 =	rddreg [dreg:$0x2];
	[bflag:$0x3] =	sbarrier.arrive $0xFFFF;
	s2 =	simm.s32 @!p0 $0x1C02  }
0x74: {  	[timem:s3], [sflag:s2] =	dma.local @!p0 [hbm:s0], s1  }
0x75: {  	s0 =	simm.s32 @!p0 $0x2  }
0x76: {  	_ =	swait.ge @!p0 [sflag:s0], s1  }
0x77: {  	s1 =	ssub.s32 @!p0 $0x0, s1;
	[sflag:s0] =	ssyncset.done @!p0 $0x0  }
0x78: {  	[sflag:s0] =	ssyncadd.s32 @!p0 s1  }
0x79: {  	[bflag:$0x3] =	sbarrier.arrive $0xFFFF  }
0x7a: {  	_ =	shalt  }

// kernel: kernel.14.cloned.1.call-start
scs
__scs_entry_jumppad:
0x0: {  	(pc) =	sbr.rel $0x88, $3  }
0x1: {  	(tag) =	ssettag $0x0;
	lr =	simm.s32 $0x1  }
0x2: {  	[smem:$0x3F99] =	sst lr;
	_ =	strace $0xD0000000  }
0x3: {  	_ = 	snop  }
0x4: {  	_ = 	snop  }
0x5: {  	_ = 	snop  }
0x6: {  	_ = 	snop  }
0x7: {  	_ = 	snop  }
__scs_overlays_trampoline_lowered:
0x8: {  	[smem:$0x3FA8] =	sst s0  }
0x9: {  	[smem:$0x3FA9] =	sst s1  }
0xa: {  	[smem:$0x3FAA] =	sst s2  }
0xb: {  	[smem:$0x3FAB] =	sst s3  }
0xc: {  	[smem:$0x3FAC] =	sst s4  }
0xd: {  	[smem:$0x3FAD] =	sst s5  }
0xe: {  	[smem:$0x3FAE] =	sst s6  }
0xf: {  	[smem:$0x3FAF] =	sst s7  }
0x10: {  	[smem:$0x3FB0] =	sst s8  }
0x11: {  	[smem:$0x3FB1] =	sst s9;
	s0 =	simm.s32 @!p0 $0x0  }
0x12: {  	s1 =	sld [smem:$0x3F97];
	s0 =	simm.s32 @p0 $0x1  }
0x13: {  	[smem:$0x3FB2] =	sst s0;
	s0 =	simm.s32 @!p1 $0x0  }
0x14: {  	s2 =	sld [smem:$0x3F96];
	s0 =	simm.s32 @p1 $0x1  }
0x15: {  	[smem:$0x3FB3] =	sst s0;
	s0 =	simm.s32 @!p2 $0x0  }
0x16: {  	s3 =	sld [smem:$0x3FDB];
	s0 =	simm.s32 @p2 $0x1  }
0x17: {  	s4 =	simm.s32 $0x1BF5;
	[smem:$0x3FB5] =	sst s0  }
0x18: {  	s0 =	sld [smem:$0x3F98];
	_ =	swait.ge [sflag:s4], $0x0  }
0x19: {  	s7 =	sld [smem:$0x3F99]  }
0x1a: {  	s8 =	sadd.s32 $0xFFFFE003, lr  }
0x1b: {  	s9 =	sadd.s32 $0xFFFFFEF7, lr;
	s5 =	simm.s32 $0xFFFFFFFF;
	p2 =	slt.u32 s8, $0xFFFFF086  }
0x1c: {  	p1 =	slt.u32 s9, $0xF7A;
	s5 =	simm.s32 @!p2 $0x0  }
0x1d: {  	s5 =	simm.s32 @p1 $0x1;
	p0 =	seq.s32 s7, s2  }
0x1e: {  	s7 =	smul.u32 @!p0 $0xF7A, s2;
	p2 =	seq.s32 @!p0 s5, $0x0  }
0x1f: {  	s9 =	smul.u32 $0xF7A, s1;
	s8 =	simm.s32 @!p0 $0x1BF5;
	p2 =	por !p2, p0  }
0x20: {  	[sflag:s8] =	ssyncset.s32 @!p0 $0xFFFFF086;
	s6 =	sadd.s32 @!p0 s3, s7;
	s7 =	simm.s32 @!p0 $0x108  }
0x21: {  	s3 =	sadd.s32 s3, s9;
	s6 =	sadd.s32 @!p0 $0x88, s6;
	s7 =	simm.s32 @p2 $0x1082  }
0x22: {  	[simem:s7], [sflag:s8] =	dma.local @!p0 [hbm:s6], $0xF7A  }
0x23: {  	s9 =	sor.u32 $0xD0000000, s2;
	s6 =	simm.s32 $0x108;
	_ =	swait.ge @!p0 [sflag:s8], $0x0  }
0x24: {  	s3 =	sadd.s32 $0x88, s3;
	s6 =	simm.s32 @!p1 $0x1082;
	[sflag:s4] =	ssyncset.s32 $0xFFFFF086  }
0x25: {  	[simem:s6], [sflag:s4] =	dma.local [hbm:s3], $0xF7A  }
0x26: {  	[smem:$0x3F99] =	sst s1;
	(tag) =	ssettag s2;
	_ =	strace s9  }
0x27: {  	s1 =	sld [smem:$0x3FA9]  }
0x28: {  	s2 =	sld [smem:$0x3FAA]  }
0x29: {  	s4 =	sld [smem:$0x3FAC]  }
0x2a: {  	p0 =	seq.s32 s5, $0x0;
	s5 =	sld [smem:$0x3FAD]  }
0x2b: {  	s6 =	sld [smem:$0x3FAE]  }
0x2c: {  	s7 =	sld [smem:$0x3FAF]  }
0x2d: {  	s3 =	simm.s32 $0x108;
	s8 =	sld [smem:$0x3FB0]  }
0x2e: {  	s3 =	simm.s32 @!p0 $0x1082;
	s9 =	sld [smem:$0x3FB1]  }
0x2f: {  	lr =	sadd.s32 s0, s3;
	s0 =	sld [smem:$0x3FA8]  }
0x30: {  	s3 =	sld [smem:$0x3FAB]  }
0x31: {  	[smem:$0x3FB4] =	sst s10  }
0x32: {  	s10 =	sld [smem:$0x3FB2];
	_ =	sdelay $0x3  }
0x33: {  	p0 =	seq.s32 s10, $0x1;
	s10 =	sld [smem:$0x3FB4];
	_ =	sdelay $0x3  }
0x34: {  	[smem:$0x3FB4] =	sst s10  }
0x35: {  	s10 =	sld [smem:$0x3FB3];
	_ =	sdelay $0x3  }
0x36: {  	p1 =	seq.s32 s10, $0x1;
	s10 =	sld [smem:$0x3FB4];
	_ =	sdelay $0x3  }
0x37: {  	[smem:$0x3FB4] =	sst s10  }
0x38: {  	s10 =	sld [smem:$0x3FB5]  }
0x39: {  	_ = 	snop;
	(pc) =	sbr.ind lr, $3  }
0x3a: {  	_ = 	snop  }
0x3b: {  	_ = 	snop  }
0x3c: {  	p2 =	seq.s32 s10, $0x1;
	s10 =	sld [smem:$0x3FB4]  }
0x3d: {  	_ =	shalt  }
0x3e: {  	_ =	shalt  }
0x3f: {  	_ =	shalt  }
0x40: {  	_ =	shalt  }
0x41: {  	_ =	shalt  }
0x42: {  	_ =	shalt  }
0x43: {  	_ =	shalt  }
0x44: {  	_ =	shalt  }
0x45: {  	_ =	shalt  }
0x46: {  	_ =	shalt  }
0x47: {  	_ =	shalt  }
0x48: {  	_ =	shalt  }
0x49: {  	_ =	shalt  }
0x4a: {  	_ =	shalt  }
0x4b: {  	_ =	shalt  }
0x4c: {  	_ =	shalt  }
0x4d: {  	_ =	shalt  }
0x4e: {  	_ =	shalt  }
0x4f: {  	_ =	shalt  }
0x50: {  	_ =	shalt  }
0x51: {  	_ =	shalt  }
0x52: {  	_ =	shalt  }
0x53: {  	_ =	shalt  }
0x54: {  	_ =	shalt  }
0x55: {  	_ =	shalt  }
0x56: {  	_ =	shalt  }
0x57: {  	_ =	shalt  }
0x58: {  	_ =	shalt  }
0x59: {  	_ =	shalt  }
0x5a: {  	_ =	shalt  }
0x5b: {  	_ =	shalt  }
0x5c: {  	_ =	shalt  }
0x5d: {  	_ =	shalt  }
0x5e: {  	_ =	shalt  }
0x5f: {  	_ =	shalt  }
0x60: {  	_ =	shalt  }
0x61: {  	_ =	shalt  }
0x62: {  	_ =	shalt  }
0x63: {  	_ =	shalt  }
0x64: {  	_ =	shalt  }
0x65: {  	_ =	shalt  }
0x66: {  	_ =	shalt  }
0x67: {  	_ =	shalt  }
0x68: {  	_ =	shalt  }
0x69: {  	_ =	shalt  }
0x6a: {  	_ =	shalt  }
0x6b: {  	_ =	shalt  }
0x6c: {  	_ =	shalt  }
0x6d: {  	_ =	shalt  }
0x6e: {  	_ =	shalt  }
0x6f: {  	_ =	shalt  }
0x70: {  	_ =	shalt  }
0x71: {  	_ =	shalt  }
0x72: {  	_ =	shalt  }
0x73: {  	_ =	shalt  }
0x74: {  	_ =	shalt  }
0x75: {  	_ =	shalt  }
0x76: {  	_ =	shalt  }
0x77: {  	_ =	shalt  }
0x78: {  	_ =	shalt  }
0x79: {  	_ =	shalt  }
0x7a: {  	_ =	shalt  }
0x7b: {  	_ =	shalt  }
0x7c: {  	_ =	shalt  }
0x7d: {  	_ =	shalt  }
0x7e: {  	_ =	shalt  }
0x7f: {  	_ =	shalt  }
0x80: {  	_ =	shalt  }
0x81: {  	_ =	shalt  }
0x82: {  	_ =	shalt  }
0x83: {  	_ =	shalt  }
0x84: {  	_ =	shalt  }
0x85: {  	_ =	shalt  }
0x86: {  	_ =	shalt  }
0x87: {  	_ =	shalt  }
.Lfunc_end0:
.L_simem_size_0:
called_computation.2_lowered:
.L_overlay_start_0:
0x88: {  	s2 =	sld [smem:$0x3FD9]  }
0x89: {  	s3 =	sld [smem:$0x3FFE];
	_ =	sdelay $0x1  }
0x8a: {  	s1 =	srdreg.scid  }
0x8b: {  	s0 =	sand.u32 $0x1, s1  }
0x8c: {  	s17 =	sshll.u32 s0, $0xA;
	s2 =	sadd.s32 s3, s2  }
0x8d: {  	s2 =	sadd.s32 s2, s17  }
0x8e: {  	[smem:$0x3FC0] =	sst s2  }
0x8f: {  	_ = 	snop  }
0x90: {  	s2 =	sld [smem:$0x3FD0];
	(tm) =	ssettm $0x1  }
0x91: {  	s18 =	sld [smem:$0x3FFB];
	_ =	sdelay $0x3  }
0x92: {  	_ =	strace s18  }
0x93: {  	s3 =	sld [smem:$0x3FFC];
	_ =	sdelay $0x3  }
0x94: {  	_ =	strace s3  }
0x95: {  	s3 =	sld [smem:$0x3FFD];
	_ =	sdelay $0x3  }
0x96: {  	_ =	strace s3  }
0x97: {  	_ =	strace $0x8FFFFFFF  }
0x98: {  	s19 =	sld [smem:$0x3FDB];
	_ =	sdelay $0x1  }
0x99: {  	s4 =	simm.s32 $_scs_section_size  }
0x9a: {  	s5 =	simm.s32 $_size__tile_overlayer_lowered;
	s6 =	simm.s32 $_tile_overlayer_lowered  }
0x9b: {  	s22 =	simm.s32 $0x1BFF;
	s21 =	sshll.u32 s6, $0x1;
	s3 =	sadd.s32 s4, s19  }
0x9c: {  	s7 =	simm.s32 $0x0;
	s20 =	sshll.u32 s5, $0x1;
	s5 =	sadd.s32 s21, s3  }
0x9d: {  	[timem:s7], [sflag:s22] =	dma.local [hbm:s5], s20  }
0x9e: {  	_ =	swait.ge [sflag:s22], s20  }
0x9f: {  	s4 =	ssub.s32 $0x0, s20;
	[sflag:s22] =	ssyncset.done $0x0  }
0xa0: {  	[sflag:s22] =	ssyncadd.s32 s4;
	_ =	sdelay $0x1  }
0xa1: {  	s23 =	simm.s32 $0x1B8B  }
0xa2: {  	_ =	swait.ge [sflag:s23], $0x1  }
0xa3: {  	[sflag:s23] =	ssyncset.done $0x0  }
0xa4: {  	s25 =	simm.s32 $0x1B8E;
	s24 =	sld [smem:$0x3FFE];
	[sflag:s23] =	ssyncadd.s32 $0xFFFFFFFF  }
0xa5: {  	s26 =	simm.s32 $execute0_lowered;
	[smem:$0x3FD2] =	sst s25  }
0xa6: {  	s5 =	sshll.u32 s26, $0x1;
	_ =	strace $0x8000004C;
	[dreg:$0x1] =	wrdreg $0xFFFFFFFF  }
0xa7: {  	s28 =	simm.s32 $_size_execute0_lowered;
	s3 =	sadd.s32 s3, s5;
	[dreg:$0x0] =	wrdreg $0x0  }
0xa8: {  	s5 =	sshll.u32 s28, $0x1;
	[dreg:$0x2] =	wrdreg s3  }
0xa9: {  	[dreg:$0x3] =	wrdreg s5  }
0xaa: {  	[dreg:$0x4] =	wrdreg $0xC0  }
0xab: {  	_ =	task [dreg:s7], $0x5FFFF  }
0xac: {  	[dreg:$0x1] =	wrdreg $0xFFFFFFFF  }
0xad: {  	[dreg:$0x0] =	wrdreg $0x60  }
0xae: {  	[dreg:$0x2] =	wrdreg s2  }
0xaf: {  	[dreg:$0x3] =	wrdreg s24  }
0xb0: {  	[dreg:$0x4] =	wrdreg $0x90000  }
0xb1: {  	[dreg:$0x5] =	wrdreg $0x9  }
0xb2: {  	_ =	task.clear_ibuf [dreg:s7], $0x6FFFF;
	_ =	strace $0x9000004C  }
0xb3: {  	s29 =	simm.s32 $0x9;
	_ =	strace $0x8000004E  }
0xb4: {  	_ =	swait.ge [sflag:s29], $0x1  }
0xb5: {  	[sflag:s29] =	ssyncadd.s32 $0xFFFFFFFF  }
0xb6: {  	_ =	strace $0x9000004E  }
0xb7: {  	_ =	sfence  }
0xb8: {  	s30 =	sld [smem:$0x0];
	_ =	sdelay $0x2  }
0xb9: {  	s31 =	sshll.u32 s1, $0xD;
	s1 =	sshrl.u32 s1, $0x2  }
0xba: {  	s3 =	sand.u32 $0x4000, s31;
	s1 =	sadd.s32 s1, s30  }
0xbb: {  	s0 =	sor.u32 s3, s0;
	s1 =	sshll.u32 s1, $0x11  }
0xbc: {  	s0 =	sor.u32 s1, s0  }
0xbd: {  	s0 =	sadd.s32 $0x8F2B, s0  }
0xbe: {  	[sflag:s0] =	ssyncadd.remote.s32 $0x1  }
0xbf: {  	_ =	sfence.sel $0xFFFF  }
0xc0: {  	[dreg:$0x0] =	wrdreg $0xFFFFFFFF;
	(pc) =	sbr.abs _section_cstart, $3  }
0xc1: {  	[dreg:$0x1] =	wrdreg $0xFFFFFFFF  }
0xc2: {  	_ =	task.clear_ibuf [dreg:s7], $0x2FFFF;
	_ =	strace $0x9FFFFFFF  }
0xc3: {  	(tm) =	ssettm $0x7FFFFFFF  }
tec
execute0_lowered:
.L_overlay_start_1:
0x0: {  	(tag) =	ssettag $0x1  }
0x1: {  	s2 =	rddreg [dreg:$0x0]  }
0x2: {  	s6 =	rddreg [dreg:$0x1]  }
0x3: {  	s0 =	srdreg.scid;
	s3 =	rddreg [dreg:$0x2];
	s4 =	simm.s32 $0x0  }
0x4: {  	s14 =	simm.s32 $0x5000;
	s15 =	simm.s32 $0x2;
	s16 =	simm.s32 $0x2800  }
0x5: {  	s17 =	simm.s32 $0x80;
	s18 =	simm.s32 $0x1;
	s19 =	simm.s32 $0x2700  }
0x6: {  	s20 =	simm.s32 $0x4F00;
	s5 =	sand.u32 $0x1, s0;
	s0 =	stileid.u32  }
0x7: {  	s21 =	simm.s32 $0x0;
	[smem:$0x7FF] =	sst s4;
	s8 =	smul.u32 $0x140000, s5  }
0x8: {  	s1 =	sshll.u32 s5, $0x4;
	s9 =	smul.u32 $0x14000, s0;
	s29 =	ssub.s32 $0x2, s5  }
0x9: {  	s10 =	smul.u32 $0x50000, s0;
	s1 =	sor.u32 s0, s1;
	s31 =	sshrl.u32 s29, $0x1  }
0xa: {  	s7 =	smul.u32 $0x500, s1;
	s1 =	rddreg [dreg:$0x3];
	_ =	strace $0x8000004D  }
0xb: {  	s28 =	sadd.s32 s9, s8;
	s30 =	sshrl.u32 s10, $0x2;
	s13 =	ssub.s32 s29, s31  }
0xc: {  	s5 =	sadd.s32 s30, s3;
	s13 =	smax.u32 s13, $0x1;
	s11 =	sadd.s32 s7, s6  }
0xd: {  	s7 =	sshrl.u32 s28, $0x3;
	s8 =	sadd.s32 $0xC000, s5;
	s9 =	sadd.s32 $0x10000, s5  }
0xe: {  	s12 =	sadd.s32 s7, s6;
	s6 =	sadd.s32 $0x4000, s5;
	s7 =	sadd.s32 $0x8000, s5  }
0xf: {  	v0 =	vimm.f32 $0.0e+00;
	s10 =	sadd.s32 $0x2E00, s11;
	s11 =	sadd.s32 $0x5CE00, s11;
	s12 =	sadd.s32 $0xCE00, s12  }
.LBB2_1:
0x10: {  	s22 =	simm.s32 $0x0;
	s23 =	simm.s32 $0x200  }
.LBB2_2:
0x11: {  	p0 =	sne.s32 s23, $0xFE00;
	[tilespmem:s22+$0x5070] =	vst v0  }
0x12: {  	[tilespmem:s22+$0x5000] =	vst v0  }
0x13: {  	[tilespmem:s22+$0x5010] =	vst v0  }
.Ltmp0:
0x14: {  	[tilespmem:s22+$0x5020] =	vst v0;
	(pc) =	sbr.rel @p0 .LBB2_2-.Ltmp0, $4  }
0x15: {  	[tilespmem:s22+$0x5030] =	vst v0  }
0x16: {  	[tilespmem:s22+$0x5040] =	vst v0  }
0x17: {  	[tilespmem:s22+$0x5050] =	vst v0  }
0x18: {  	[tilespmem:s22+$0x5060] =	vst v0;
	s22 =	sshra.s32 s23, $0x2;
	s23 =	sadd.s32 $0x200, s23  }
0x19: {  	[tilespmem:s22+$0x5070] =	vst v0  }
0x1a: {  	[tilespmem:s22+$0x5000] =	vst v0  }
0x1b: {  	[tilespmem:s22+$0x5010] =	vst v0  }
0x1c: {  	[tilespmem:s22+$0x5020] =	vst v0  }
0x1d: {  	[tilespmem:s22+$0x5030] =	vst v0  }
0x1e: {  	[tilespmem:s22+$0x5040] =	vst v0  }
0x1f: {  	[tilespmem:s22+$0x5050] =	vst v0  }
0x20: {  	[tilespmem:s22+$0x5060] =	vst v0  }
0x21: {  	[spmem:s5] =	stream.linear.scatter [tilespmem:s14], [sflag:$0x2], $0x4000, $0x38;
	[tilespmem:$0x1D000] =	vst v63  }
0x22: {  	_ =	swait.ge [sflag:s15], $0x4000  }
0x23: {  	[sflag:s15] =	ssyncset.done $0x0  }
0x24: {  	[sflag:s15] =	ssyncadd.s32 $0xFFFFC000  }
0x25: {  	[spmem:s6] =	stream.linear.scatter [tilespmem:s14], [sflag:$0x2], $0x4000, $0x38;
	[tilespmem:$0x1D000] =	vst v63  }
0x26: {  	_ =	swait.ge [sflag:s15], $0x4000  }
0x27: {  	[sflag:s15] =	ssyncset.done $0x0  }
0x28: {  	[sflag:s15] =	ssyncadd.s32 $0xFFFFC000  }
0x29: {  	[spmem:s7] =	stream.linear.scatter [tilespmem:s14], [sflag:$0x2], $0x4000, $0x38;
	[tilespmem:$0x1D000] =	vst v63  }
0x2a: {  	_ =	swait.ge [sflag:s15], $0x4000  }
0x2b: {  	[sflag:s15] =	ssyncset.done $0x0  }
0x2c: {  	[sflag:s15] =	ssyncadd.s32 $0xFFFFC000  }
0x2d: {  	[spmem:s8] =	stream.linear.scatter [tilespmem:s14], [sflag:$0x2], $0x4000, $0x38;
	[tilespmem:$0x1D000] =	vst v63  }
0x2e: {  	_ =	swait.ge [sflag:s15], $0x4000  }
0x2f: {  	[sflag:s15] =	ssyncset.done $0x0  }
0x30: {  	[sflag:s15] =	ssyncadd.s32 $0xFFFFC000  }
0x31: {  	[spmem:s9] =	stream.linear.scatter [tilespmem:s14], [sflag:$0x2], $0x4000, $0x38;
	[tilespmem:$0x1D000] =	vst v63  }
0x32: {  	_ =	swait.ge [sflag:s15], $0x4000  }
0x33: {  	[sflag:s15] =	ssyncset.done $0x0  }
0x34: {  	[sflag:s15] =	ssyncadd.s32 $0xFFFFC000  }
0x35: {  	[bflag:$0x0] =	sbarrier.arrive $0xFFFF  }
0x36: {  	[tilespmem:s16], [sflag:$0x2] =	stream.linear.gather [hbm4b:s10+s4], $0x2780, $0x38;
	[tilespmem:$0x1D000] =	vst v63  }
0x37: {  	_ =	swait.ge [sflag:s15], $0x2780  }
0x38: {  	[sflag:s15] =	ssyncset.done $0x0  }
0x39: {  	[sflag:s15] =	ssyncadd.s32 $0xFFFFD880  }
0x3a: {  	[tilespmem:s4], [sflag:$0x2] =	stream.linear.gather [hbm4b:s11+s4], $0x2780, $0x38;
	[tilespmem:$0x1D000] =	vst v63  }
0x3b: {  	_ =	swait.ge [sflag:s15], $0x2780  }
0x3c: {  	[sflag:s15] =	ssyncset.done $0x0  }
0x3d: {  	s29 =	simm.s32 $0x0;
	[sflag:s15] =	ssyncadd.s32 $0xFFFFD880  }
0x3e: {  	[tilespmem:s14], [sflag:$0x1] =	stream.indirect.gather [hbm4b:s2+s17], $0x80, s29, s17, $0xb8;
	[tilespmem:$0x1D000] =	vst v63  }
0x3f: {  	_ =	swait.ge [sflag:s18], $0x4000  }
0x40: {  	[sflag:s18] =	ssyncset.done $0x0  }
0x41: {  	s30 =	simm.s32 $0x2800;
	[sflag:s18] =	ssyncadd.s32 $0xFFFFC000  }
0x42: {  	[spmem:s3] =	stream.indirect.scatter.add.f32 [tilespmem:s14], [sflag:$0x2], $0x80, s30, s17, $0xb8;
	[tilespmem:$0x1D000] =	vst v63  }
0x43: {  	_ =	swait.ge [sflag:s15], $0x4000  }
0x44: {  	[sflag:s15] =	ssyncset.done $0x0  }
0x45: {  	s31 =	simm.s32 $0x80;
	[sflag:s15] =	ssyncadd.s32 $0xFFFFC000  }
0x46: {  	[tilespmem:s14], [sflag:$0x1] =	stream.indirect.gather [hbm4b:s2+s17], $0x80, s31, s17, $0xb8;
	[tilespmem:$0x1D000] =	vst v63  }
0x47: {  	_ =	swait.ge [sflag:s18], $0x4000  }
0x48: {  	[sflag:s18] =	ssyncset.done $0x0  }
0x49: {  	s22 =	simm.s32 $0x2880;
	[sflag:s18] =	ssyncadd.s32 $0xFFFFC000  }
0x4a: {  	[spmem:s3] =	stream.indirect.scatter.add.f32 [tilespmem:s14], [sflag:$0x2], $0x80, s22, s17, $0xb8;
	[tilespmem:$0x1D000] =	vst v63  }
0x4b: {  	_ =	swait.ge [sflag:s15], $0x4000  }
0x4c: {  	s23 =	simm.s32 $0x0;
	s24 =	simm.s32 $0x180;
	[sflag:s15] =	ssyncset.done $0x0  }
.LBB2_4:
0x4d: {  	s25 =	sadd.s32 $0xFFFFFF80, s24;
	[sflag:s15] =	ssyncadd.s32 $0xFFFFC000  }
0x4e: {  	[tilespmem:s14], [sflag:$0x1] =	stream.indirect.gather [hbm4b:s2+s17], $0x80, s25, s17, $0xb8;
	[tilespmem:$0x1D000] =	vst v63  }
0x4f: {  	_ =	swait.ge [sflag:s18], $0x4000  }
0x50: {  	s22 =	sadd.s32 $0x100, s22;
	[sflag:s18] =	ssyncset.done $0x0  }
0x51: {  	s25 =	sadd.s32 $0xFFFFFF80, s22;
	[sflag:s18] =	ssyncadd.s32 $0xFFFFC000  }
0x52: {  	[spmem:s3] =	stream.indirect.scatter.add.f32 [tilespmem:s14], [sflag:$0x2], $0x80, s25, s17, $0xb8;
	[tilespmem:$0x1D000] =	vst v63  }
0x53: {  	_ =	swait.ge [sflag:s15], $0x4000  }
0x54: {  	s23 =	sadd.s32 $0x2, s23;
	[sflag:s15] =	ssyncset.done $0x0  }
0x55: {  	p0 =	slt.u32 s23, $0x4C;
	[sflag:s15] =	ssyncadd.s32 $0xFFFFC000  }
0x56: {  	[tilespmem:s14], [sflag:$0x1] =	stream.indirect.gather [hbm4b:s2+s17], $0x80, s24, s17, $0xb8;
	[tilespmem:$0x1D000] =	vst v63  }
0x57: {  	_ =	swait.ge [sflag:s18], $0x4000  }
.Ltmp1:
0x58: {  	[sflag:s18] =	ssyncset.done $0x0;
	(pc) =	sbr.rel @p0 .LBB2_4-.Ltmp1, $4  }
0x59: {  	[sflag:s18] =	ssyncadd.s32 $0xFFFFC000  }
0x5a: {  	[spmem:s3] =	stream.indirect.scatter.add.f32 [tilespmem:s14], [sflag:$0x2], $0x80, s22, s17, $0xb8;
	[tilespmem:$0x1D000] =	vst v63  }
0x5b: {  	_ =	swait.ge [sflag:s15], $0x4000  }
0x5c: {  	s24 =	sadd.s32 $0x100, s24;
	[sflag:s15] =	ssyncset.done $0x0  }
0x5d: {  	[sflag:s15] =	ssyncadd.s32 $0xFFFFC000  }
0x5e: {  	[tilespmem:s14], [sflag:$0x1] =	stream.indirect.gather [hbm4b:s2+s17], $0x80, s19, s17, $0xb8;
	[tilespmem:$0x1D000] =	vst v63  }
0x5f: {  	_ =	swait.ge [sflag:s18], $0x4000  }
0x60: {  	[sflag:s18] =	ssyncset.done $0x0  }
0x61: {  	[sflag:s18] =	ssyncadd.s32 $0xFFFFC000  }
0x62: {  	[spmem:s3] =	stream.indirect.scatter.add.f32 [tilespmem:s14], [sflag:$0x2], $0x80, s20, s17, $0xb8;
	[tilespmem:$0x1D000] =	vst v63  }
0x63: {  	_ =	swait.ge [sflag:s15], $0x4000  }
0x64: {  	s22 =	sshll.u32 s0, $0x6;
	s21 =	sadd.s32 $0x1, s21;
	[sflag:s15] =	ssyncset.done $0x0  }
0x65: {  	s23 =	sshrl.u32 s5, $0x3;
	p0 =	sne.s32 s21, s13;
	[sflag:s15] =	ssyncadd.s32 $0xFFFFC000  }
.Ltmp2:
0x66: {  	s22 =	sor.u32 $0x1C02, s22;
	[bflag:$0x0] =	sbarrier.arrive $0xFFFF;
	(pc) =	sbr.rel @p0 .LBB2_1-.Ltmp2, $4  }
0x67: {  	[hbm:s12], [sflag:s22] =	dma.local [spmem:s23], $0x2800  }
0x68: {  	_ =	swait.ge [sflag:s15], $0x2800  }
0x69: {  	[sflag:s15] =	ssyncset.done $0x0  }
0x6a: {  	[sflag:s15] =	ssyncadd.s32 $0xFFFFD800  }
0x6b: {  	_ =	sfence.sel $0x180000  }
0x6c: {  	[bflag:$0x0] =	sbarrier.arrive $0xFFFF  }
0x6d: {  	p0 =	sne.s32 s0, $0x0;
	_ =	strace $0x9000004D  }
0x6e: {  	s0 =	sadd.s32 @!p0 $0x100000, s1;
	[bflag:$0x2] =	sbarrier.arrive $0xFFFF  }
0x6f: {  	[sflag:s0] =	ssyncadd.tile.s32 @!p0 $0x1;
	_ =	shalt  }
.Lfunc_end2:
_tile_overlayer_lowered:
.L_overlay_start_2:
0x70: {  	(tag) =	ssettag $0x2  }
0x71: {  	s0 =	rddreg [dreg:$0x0];
	s2 =	stileid.u32  }
0x72: {  	s1 =	rddreg [dreg:$0x1];
	p0 =	sne.s32 s2, $0x0  }
0x73: {  	s3 =	rddreg [dreg:$0x2];
	[bflag:$0x3] =	sbarrier.arrive $0xFFFF;
	s2 =	simm.s32 @!p0 $0x1C02  }
0x74: {  	[timem:s3], [sflag:s2] =	dma.local @!p0 [hbm:s0], s1  }
0x75: {  	s0 =	simm.s32 @!p0 $0x2  }
0x76: {  	_ =	swait.ge @!p0 [sflag:s0], s1  }
0x77: {  	s1 =	ssub.s32 @!p0 $0x0, s1;
	[sflag:s0] =	ssyncset.done @!p0 $0x0  }
0x78: {  	[sflag:s0] =	ssyncadd.s32 @!p0 s1  }
0x79: {  	[bflag:$0x3] =	sbarrier.arrive $0xFFFF  }
0x7a: {  	_ =	shalt  }

// kernel: kernel.8.cloned.1.call-start
scs
__scs_entry_jumppad:
0x0: {  	(pc) =	sbr.rel $0x88, $3  }
0x1: {  	(tag) =	ssettag $0x0;
	lr =	simm.s32 $0x1  }
0x2: {  	[smem:$0x3F99] =	sst lr;
	_ =	strace $0xD0000000  }
0x3: {  	_ = 	snop  }
0x4: {  	_ = 	snop  }
0x5: {  	_ = 	snop  }
0x6: {  	_ = 	snop  }
0x7: {  	_ = 	snop  }
__scs_overlays_trampoline_lowered:
0x8: {  	[smem:$0x3FA8] =	sst s0  }
0x9: {  	[smem:$0x3FA9] =	sst s1  }
0xa: {  	[smem:$0x3FAA] =	sst s2  }
0xb: {  	[smem:$0x3FAB] =	sst s3  }
0xc: {  	[smem:$0x3FAC] =	sst s4  }
0xd: {  	[smem:$0x3FAD] =	sst s5  }
0xe: {  	[smem:$0x3FAE] =	sst s6  }
0xf: {  	[smem:$0x3FAF] =	sst s7  }
0x10: {  	[smem:$0x3FB0] =	sst s8  }
0x11: {  	[smem:$0x3FB1] =	sst s9;
	s0 =	simm.s32 @!p0 $0x0  }
0x12: {  	s1 =	sld [smem:$0x3F97];
	s0 =	simm.s32 @p0 $0x1  }
0x13: {  	[smem:$0x3FB2] =	sst s0;
	s0 =	simm.s32 @!p1 $0x0  }
0x14: {  	s2 =	sld [smem:$0x3F96];
	s0 =	simm.s32 @p1 $0x1  }
0x15: {  	[smem:$0x3FB3] =	sst s0;
	s0 =	simm.s32 @!p2 $0x0  }
0x16: {  	s3 =	sld [smem:$0x3FDB];
	s0 =	simm.s32 @p2 $0x1  }
0x17: {  	s4 =	simm.s32 $0x1BF5;
	[smem:$0x3FB5] =	sst s0  }
0x18: {  	s0 =	sld [smem:$0x3F98];
	_ =	swait.ge [sflag:s4], $0x0  }
0x19: {  	s7 =	sld [smem:$0x3F99]  }
0x1a: {  	s8 =	sadd.s32 $0xFFFFE003, lr  }
0x1b: {  	s9 =	sadd.s32 $0xFFFFFEF7, lr;
	s5 =	simm.s32 $0xFFFFFFFF;
	p2 =	slt.u32 s8, $0xFFFFF086  }
0x1c: {  	p1 =	slt.u32 s9, $0xF7A;
	s5 =	simm.s32 @!p2 $0x0  }
0x1d: {  	s5 =	simm.s32 @p1 $0x1;
	p0 =	seq.s32 s7, s2  }
0x1e: {  	s7 =	smul.u32 @!p0 $0xF7A, s2;
	p2 =	seq.s32 @!p0 s5, $0x0  }
0x1f: {  	s9 =	smul.u32 $0xF7A, s1;
	s8 =	simm.s32 @!p0 $0x1BF5;
	p2 =	por !p2, p0  }
0x20: {  	[sflag:s8] =	ssyncset.s32 @!p0 $0xFFFFF086;
	s6 =	sadd.s32 @!p0 s3, s7;
	s7 =	simm.s32 @!p0 $0x108  }
0x21: {  	s3 =	sadd.s32 s3, s9;
	s6 =	sadd.s32 @!p0 $0x88, s6;
	s7 =	simm.s32 @p2 $0x1082  }
0x22: {  	[simem:s7], [sflag:s8] =	dma.local @!p0 [hbm:s6], $0xF7A  }
0x23: {  	s9 =	sor.u32 $0xD0000000, s2;
	s6 =	simm.s32 $0x108;
	_ =	swait.ge @!p0 [sflag:s8], $0x0  }
0x24: {  	s3 =	sadd.s32 $0x88, s3;
	s6 =	simm.s32 @!p1 $0x1082;
	[sflag:s4] =	ssyncset.s32 $0xFFFFF086  }
0x25: {  	[simem:s6], [sflag:s4] =	dma.local [hbm:s3], $0xF7A  }
0x26: {  	[smem:$0x3F99] =	sst s1;
	(tag) =	ssettag s2;
	_ =	strace s9  }
0x27: {  	s1 =	sld [smem:$0x3FA9]  }
0x28: {  	s2 =	sld [smem:$0x3FAA]  }
0x29: {  	s4 =	sld [smem:$0x3FAC]  }
0x2a: {  	p0 =	seq.s32 s5, $0x0;
	s5 =	sld [smem:$0x3FAD]  }
0x2b: {  	s6 =	sld [smem:$0x3FAE]  }
0x2c: {  	s7 =	sld [smem:$0x3FAF]  }
0x2d: {  	s3 =	simm.s32 $0x108;
	s8 =	sld [smem:$0x3FB0]  }
0x2e: {  	s3 =	simm.s32 @!p0 $0x1082;
	s9 =	sld [smem:$0x3FB1]  }
0x2f: {  	lr =	sadd.s32 s0, s3;
	s0 =	sld [smem:$0x3FA8]  }
0x30: {  	s3 =	sld [smem:$0x3FAB]  }
0x31: {  	[smem:$0x3FB4] =	sst s10  }
0x32: {  	s10 =	sld [smem:$0x3FB2];
	_ =	sdelay $0x3  }
0x33: {  	p0 =	seq.s32 s10, $0x1;
	s10 =	sld [smem:$0x3FB4];
	_ =	sdelay $0x3  }
0x34: {  	[smem:$0x3FB4] =	sst s10  }
0x35: {  	s10 =	sld [smem:$0x3FB3];
	_ =	sdelay $0x3  }
0x36: {  	p1 =	seq.s32 s10, $0x1;
	s10 =	sld [smem:$0x3FB4];
	_ =	sdelay $0x3  }
0x37: {  	[smem:$0x3FB4] =	sst s10  }
0x38: {  	s10 =	sld [smem:$0x3FB5]  }
0x39: {  	_ = 	snop;
	(pc) =	sbr.ind lr, $3  }
0x3a: {  	_ = 	snop  }
0x3b: {  	_ = 	snop  }
0x3c: {  	p2 =	seq.s32 s10, $0x1;
	s10 =	sld [smem:$0x3FB4]  }
0x3d: {  	_ =	shalt  }
0x3e: {  	_ =	shalt  }
0x3f: {  	_ =	shalt  }
0x40: {  	_ =	shalt  }
0x41: {  	_ =	shalt  }
0x42: {  	_ =	shalt  }
0x43: {  	_ =	shalt  }
0x44: {  	_ =	shalt  }
0x45: {  	_ =	shalt  }
0x46: {  	_ =	shalt  }
0x47: {  	_ =	shalt  }
0x48: {  	_ =	shalt  }
0x49: {  	_ =	shalt  }
0x4a: {  	_ =	shalt  }
0x4b: {  	_ =	shalt  }
0x4c: {  	_ =	shalt  }
0x4d: {  	_ =	shalt  }
0x4e: {  	_ =	shalt  }
0x4f: {  	_ =	shalt  }
0x50: {  	_ =	shalt  }
0x51: {  	_ =	shalt  }
0x52: {  	_ =	shalt  }
0x53: {  	_ =	shalt  }
0x54: {  	_ =	shalt  }
0x55: {  	_ =	shalt  }
0x56: {  	_ =	shalt  }
0x57: {  	_ =	shalt  }
0x58: {  	_ =	shalt  }
0x59: {  	_ =	shalt  }
0x5a: {  	_ =	shalt  }
0x5b: {  	_ =	shalt  }
0x5c: {  	_ =	shalt  }
0x5d: {  	_ =	shalt  }
0x5e: {  	_ =	shalt  }
0x5f: {  	_ =	shalt  }
0x60: {  	_ =	shalt  }
0x61: {  	_ =	shalt  }
0x62: {  	_ =	shalt  }
0x63: {  	_ =	shalt  }
0x64: {  	_ =	shalt  }
0x65: {  	_ =	shalt  }
0x66: {  	_ =	shalt  }
0x67: {  	_ =	shalt  }
0x68: {  	_ =	shalt  }
0x69: {  	_ =	shalt  }
0x6a: {  	_ =	shalt  }
0x6b: {  	_ =	shalt  }
0x6c: {  	_ =	shalt  }
0x6d: {  	_ =	shalt  }
0x6e: {  	_ =	shalt  }
0x6f: {  	_ =	shalt  }
0x70: {  	_ =	shalt  }
0x71: {  	_ =	shalt  }
0x72: {  	_ =	shalt  }
0x73: {  	_ =	shalt  }
0x74: {  	_ =	shalt  }
0x75: {  	_ =	shalt  }
0x76: {  	_ =	shalt  }
0x77: {  	_ =	shalt  }
0x78: {  	_ =	shalt  }
0x79: {  	_ =	shalt  }
0x7a: {  	_ =	shalt  }
0x7b: {  	_ =	shalt  }
0x7c: {  	_ =	shalt  }
0x7d: {  	_ =	shalt  }
0x7e: {  	_ =	shalt  }
0x7f: {  	_ =	shalt  }
0x80: {  	_ =	shalt  }
0x81: {  	_ =	shalt  }
0x82: {  	_ =	shalt  }
0x83: {  	_ =	shalt  }
0x84: {  	_ =	shalt  }
0x85: {  	_ =	shalt  }
0x86: {  	_ =	shalt  }
0x87: {  	_ =	shalt  }
.Lfunc_end0:
.L_simem_size_0:
called_computation_lowered:
.L_overlay_start_0:
0x88: {  	s2 =	sld [smem:$0x3FD9]  }
0x89: {  	s3 =	sld [smem:$0x3FFE];
	_ =	sdelay $0x1  }
0x8a: {  	s1 =	srdreg.scid  }
0x8b: {  	s0 =	sand.u32 $0x1, s1  }
0x8c: {  	s16 =	sshll.u32 s0, $0xA;
	s2 =	sadd.s32 s3, s2  }
0x8d: {  	s2 =	sadd.s32 s2, s16  }
0x8e: {  	[smem:$0x3FC0] =	sst s2  }
0x8f: {  	_ = 	snop  }
0x90: {  	(tm) =	ssettm $0x1  }
0x91: {  	s17 =	sld [smem:$0x3FFB];
	_ =	sdelay $0x3  }
0x92: {  	_ =	strace s17  }
0x93: {  	s2 =	sld [smem:$0x3FFC];
	_ =	sdelay $0x3  }
0x94: {  	_ =	strace s2  }
0x95: {  	s2 =	sld [smem:$0x3FFD];
	_ =	sdelay $0x3  }
0x96: {  	_ =	strace s2  }
0x97: {  	_ =	strace $0x8FFFFFFF  }
0x98: {  	s18 =	sld [smem:$0x3FDB];
	_ =	sdelay $0x1  }
0x99: {  	s19 =	simm.s32 $_scs_section_size  }
0x9a: {  	s4 =	simm.s32 $_size__tile_overlayer_lowered;
	s5 =	simm.s32 $_tile_overlayer_lowered  }
0x9b: {  	s22 =	simm.s32 $0x1BFF;
	s21 =	sshll.u32 s5, $0x1;
	s2 =	sadd.s32 s19, s18  }
0x9c: {  	s6 =	simm.s32 $0x0;
	s20 =	sshll.u32 s4, $0x1;
	s4 =	sadd.s32 s21, s2  }
0x9d: {  	[timem:s6], [sflag:s22] =	dma.local [hbm:s4], s20  }
0x9e: {  	_ =	swait.ge [sflag:s22], s20  }
0x9f: {  	s3 =	ssub.s32 $0x0, s20;
	[sflag:s22] =	ssyncset.done $0x0  }
0xa0: {  	[sflag:s22] =	ssyncadd.s32 s3;
	_ =	sdelay $0x1  }
0xa1: {  	s23 =	simm.s32 $0x1B8B  }
0xa2: {  	_ =	swait.ge [sflag:s23], $0x1  }
0xa3: {  	[sflag:s23] =	ssyncset.done $0x0  }
0xa4: {  	s25 =	simm.s32 $0x1B8E;
	s24 =	sld [smem:$0x3FFE];
	[sflag:s23] =	ssyncadd.s32 $0xFFFFFFFF  }
0xa5: {  	s26 =	simm.s32 $execute0_lowered;
	[smem:$0x3FD2] =	sst s25  }
0xa6: {  	s4 =	sshll.u32 s26, $0x1;
	_ =	strace $0x80000046;
	[dreg:$0x1] =	wrdreg $0xFFFFFFFF  }
0xa7: {  	s28 =	simm.s32 $_size_execute0_lowered;
	s2 =	sadd.s32 s2, s4;
	[dreg:$0x0] =	wrdreg $0x0  }
0xa8: {  	s4 =	sshll.u32 s28, $0x1;
	[dreg:$0x2] =	wrdreg s2  }
0xa9: {  	[dreg:$0x3] =	wrdreg s4  }
0xaa: {  	[dreg:$0x4] =	wrdreg $0xC0  }
0xab: {  	_ =	task [dreg:s6], $0x5FFFF  }
0xac: {  	[dreg:$0x1] =	wrdreg $0xFFFFFFFF  }
0xad: {  	[dreg:$0x0] =	wrdreg $0x60  }
0xae: {  	[dreg:$0x2] =	wrdreg s24  }
0xaf: {  	[dreg:$0x3] =	wrdreg $0x68000  }
0xb0: {  	[dreg:$0x4] =	wrdreg $0x9  }
0xb1: {  	_ =	task.clear_ibuf [dreg:s6], $0x5FFFF;
	_ =	strace $0x90000046  }
0xb2: {  	s29 =	simm.s32 $0x9;
	_ =	strace $0x80000048  }
0xb3: {  	_ =	swait.ge [sflag:s29], $0x1  }
0xb4: {  	[sflag:s29] =	ssyncadd.s32 $0xFFFFFFFF  }
0xb5: {  	_ =	strace $0x90000048  }
0xb6: {  	_ =	sfence  }
0xb7: {  	s30 =	sld [smem:$0x0];
	_ =	sdelay $0x2  }
0xb8: {  	s31 =	sshll.u32 s1, $0xD;
	s1 =	sshrl.u32 s1, $0x2  }
0xb9: {  	s3 =	sand.u32 $0x4000, s31;
	s1 =	sadd.s32 s1, s30  }
0xba: {  	s0 =	sor.u32 s3, s0;
	s1 =	sshll.u32 s1, $0x11  }
0xbb: {  	s0 =	sor.u32 s1, s0  }
0xbc: {  	s0 =	sadd.s32 $0x8F2B, s0  }
0xbd: {  	[sflag:s0] =	ssyncadd.remote.s32 $0x1  }
0xbe: {  	_ =	sfence.sel $0xFFFF  }
0xbf: {  	[dreg:$0x0] =	wrdreg $0xFFFFFFFF;
	(pc) =	sbr.abs _section_cstart, $3  }
0xc0: {  	[dreg:$0x1] =	wrdreg $0xFFFFFFFF  }
0xc1: {  	_ =	task.clear_ibuf [dreg:s6], $0x2FFFF;
	_ =	strace $0x9FFFFFFF  }
0xc2: {  	(tm) =	ssettm $0x7FFFFFFF  }
0xc3: {  	_ =	shalt  }
tec
execute0_lowered:
.L_overlay_start_1:
0x0: {  	(tag) =	ssettag $0x1  }
0x1: {  	s0 =	srdreg.scid;
	s5 =	rddreg [dreg:$0x0]  }
0x2: {  	s2 =	rddreg [dreg:$0x1];
	s4 =	sand.u32 $0x1, s0  }
0x3: {  	s3 =	simm.s32 $0x0;
	s0 =	stileid.u32;
	s7 =	smul.u32 $0x140000, s4  }
0x4: {  	s13 =	simm.s32 $0x1;
	s14 =	simm.s32 $0x80;
	s8 =	smul.u32 $0x14000, s0  }
0x5: {  	[smem:$0x7FF] =	sst s3;
	s1 =	sshll.u32 s4, $0x4;
	s9 =	smul.u32 $0x50000, s0  }
0x6: {  	s29 =	ssub.s32 $0x2, s4;
	s15 =	sshll.u32 s0, $0x6;
	s1 =	sor.u32 s0, s1  }
0x7: {  	s31 =	sshrl.u32 s29, $0x1;
	s15 =	sor.u32 $0x1C01, s15;
	s6 =	smul.u32 $0x500, s1  }
0x8: {  	s1 =	rddreg [dreg:$0x2];
	_ =	strace $0x80000047;
	s30 =	sshrl.u32 s9, $0x2  }
0x9: {  	s28 =	sadd.s32 s8, s7;
	s12 =	ssub.s32 s29, s31;
	s4 =	sadd.s32 s30, s2  }
0xa: {  	s10 =	sadd.s32 s6, s5;
	s6 =	sshrl.u32 s28, $0x3;
	s7 =	sadd.s32 $0xC000, s4  }
0xb: {  	s8 =	sadd.s32 $0x10000, s4;
	s16 =	sshrl.u32 s4, $0x3;
	s11 =	sadd.s32 s6, s5  }
0xc: {  	s5 =	sadd.s32 $0x4000, s4;
	s6 =	sadd.s32 $0x8000, s4;
	s9 =	sadd.s32 $0x2E00, s10  }
0xd: {  	v0 =	vimm.f32 $0.0e+00;
	v1 =	vimm.f32 $1.000000000e+00;
	s10 =	sadd.s32 $0xCE00, s11;
	s11 =	smax.u32 s12, $0x1;
	s12 =	simm.s32 $0x2800  }
.LBB2_1:
0xe: {  	s17 =	simm.s32 $0x0;
	s18 =	simm.s32 $0x200  }
.LBB2_2:
0xf: {  	p0 =	sne.s32 s18, $0xFE00;
	[tilespmem:s17+$0x2870] =	vst v0  }
0x10: {  	[tilespmem:s17+$0x2800] =	vst v0  }
0x11: {  	[tilespmem:s17+$0x2810] =	vst v0  }
.Ltmp0:
0x12: {  	[tilespmem:s17+$0x2820] =	vst v0;
	(pc) =	sbr.rel @p0 .LBB2_2-.Ltmp0, $4  }
0x13: {  	[tilespmem:s17+$0x2830] =	vst v0  }
0x14: {  	[tilespmem:s17+$0x2840] =	vst v0  }
0x15: {  	[tilespmem:s17+$0x2850] =	vst v0  }
0x16: {  	[tilespmem:s17+$0x2860] =	vst v0;
	s17 =	sshra.s32 s18, $0x2;
	s18 =	sadd.s32 $0x200, s18  }
0x17: {  	[tilespmem:s17+$0x2870] =	vst v0  }
0x18: {  	[tilespmem:s17+$0x2800] =	vst v0  }
0x19: {  	[tilespmem:s17+$0x2810] =	vst v0  }
0x1a: {  	[tilespmem:s17+$0x2820] =	vst v0  }
0x1b: {  	[tilespmem:s17+$0x2830] =	vst v0  }
0x1c: {  	[tilespmem:s17+$0x2840] =	vst v0  }
0x1d: {  	[tilespmem:s17+$0x2850] =	vst v0  }
0x1e: {  	[tilespmem:s17+$0x2860] =	vst v0  }
0x1f: {  	[spmem:s4] =	stream.linear.scatter [tilespmem:s12], [sflag:$0x1], $0x4000, $0x38;
	[tilespmem:$0x1A800] =	vst v63  }
0x20: {  	_ =	swait.ge [sflag:s13], $0x4000  }
0x21: {  	[sflag:s13] =	ssyncset.done $0x0  }
0x22: {  	[sflag:s13] =	ssyncadd.s32 $0xFFFFC000  }
0x23: {  	[spmem:s5] =	stream.linear.scatter [tilespmem:s12], [sflag:$0x1], $0x4000, $0x38;
	[tilespmem:$0x1A800] =	vst v63  }
0x24: {  	_ =	swait.ge [sflag:s13], $0x4000  }
0x25: {  	[sflag:s13] =	ssyncset.done $0x0  }
0x26: {  	[sflag:s13] =	ssyncadd.s32 $0xFFFFC000  }
0x27: {  	[spmem:s6] =	stream.linear.scatter [tilespmem:s12], [sflag:$0x1], $0x4000, $0x38;
	[tilespmem:$0x1A800] =	vst v63  }
0x28: {  	_ =	swait.ge [sflag:s13], $0x4000  }
0x29: {  	[sflag:s13] =	ssyncset.done $0x0  }
0x2a: {  	[sflag:s13] =	ssyncadd.s32 $0xFFFFC000  }
0x2b: {  	[spmem:s7] =	stream.linear.scatter [tilespmem:s12], [sflag:$0x1], $0x4000, $0x38;
	[tilespmem:$0x1A800] =	vst v63  }
0x2c: {  	_ =	swait.ge [sflag:s13], $0x4000  }
0x2d: {  	[sflag:s13] =	ssyncset.done $0x0  }
0x2e: {  	[sflag:s13] =	ssyncadd.s32 $0xFFFFC000  }
0x2f: {  	[spmem:s8] =	stream.linear.scatter [tilespmem:s12], [sflag:$0x1], $0x4000, $0x38;
	[tilespmem:$0x1A800] =	vst v63  }
0x30: {  	_ =	swait.ge [sflag:s13], $0x4000  }
0x31: {  	[sflag:s13] =	ssyncset.done $0x0  }
0x32: {  	[sflag:s13] =	ssyncadd.s32 $0xFFFFC000  }
0x33: {  	s17 =	simm.s32 $0x0;
	s18 =	simm.s32 $0x200;
	[bflag:$0x0] =	sbarrier.arrive $0xFFFF  }
.LBB2_4:
0x34: {  	p0 =	sne.s32 s18, $0xFE00;
	[tilespmem:s17+$0x2870] =	vst v1  }
0x35: {  	[tilespmem:s17+$0x2800] =	vst v1  }
0x36: {  	[tilespmem:s17+$0x2810] =	vst v1  }
.Ltmp1:
0x37: {  	[tilespmem:s17+$0x2820] =	vst v1;
	(pc) =	sbr.rel @p0 .LBB2_4-.Ltmp1, $4  }
0x38: {  	[tilespmem:s17+$0x2830] =	vst v1  }
0x39: {  	[tilespmem:s17+$0x2840] =	vst v1  }
0x3a: {  	[tilespmem:s17+$0x2850] =	vst v1  }
0x3b: {  	[tilespmem:s17+$0x2860] =	vst v1;
	s17 =	sshra.s32 s18, $0x2;
	s18 =	sadd.s32 $0x200, s18  }
0x3c: {  	[tilespmem:s17+$0x2870] =	vst v1  }
0x3d: {  	[tilespmem:s17+$0x2800] =	vst v1  }
0x3e: {  	[tilespmem:s17+$0x2810] =	vst v1  }
0x3f: {  	[tilespmem:s17+$0x2820] =	vst v1  }
0x40: {  	[tilespmem:s17+$0x2830] =	vst v1  }
0x41: {  	[tilespmem:s17+$0x2840] =	vst v1  }
0x42: {  	[tilespmem:s17+$0x2850] =	vst v1  }
0x43: {  	[tilespmem:s17+$0x2860] =	vst v1;
	s30 =	simm.s32 $0x0  }
0x44: {  	[tilespmem:s30], [sflag:$0x1] =	stream.linear.gather [hbm4b:s9+s30], $0x2780, $0x38;
	[tilespmem:$0x1A800] =	vst v63  }
0x45: {  	_ =	swait.ge [sflag:s13], $0x2780  }
0x46: {  	[sflag:s13] =	ssyncset.done $0x0  }
0x47: {  	s31 =	simm.s32 $0x0;
	[sflag:s13] =	ssyncadd.s32 $0xFFFFD880  }
0x48: {  	[spmem:s2] =	stream.indirect.scatter.add.f32 [tilespmem:s12], [sflag:$0x1], $0x80, s31, s14, $0xb8;
	[tilespmem:$0x1A800] =	vst v63  }
0x49: {  	_ =	swait.ge [sflag:s13], $0x4000  }
0x4a: {  	s17 =	simm.s32 $0x200;
	[sflag:s13] =	ssyncset.done $0x0  }
.LBB2_6:
0x4b: {  	s18 =	sshra.s32 s17, $0x2;
	[sflag:s13] =	ssyncadd.s32 $0xFFFFC000;
	p0 =	sne.s32 s17, $0x9C00  }
0x4c: {  	[spmem:s2] =	stream.indirect.scatter.add.f32 [tilespmem:s12], [sflag:$0x1], $0x80, s18, s14, $0xb8;
	[tilespmem:$0x1A800] =	vst v63  }
.Ltmp2:
0x4d: {  	_ = 	snop;
	(pc) =	sbr.rel @p0 .LBB2_6-.Ltmp2, $4  }
0x4e: {  	_ = 	snop  }
0x4f: {  	s17 =	sadd.s32 $0x200, s17  }
0x50: {  	_ =	swait.ge [sflag:s13], $0x4000  }
0x51: {  	[sflag:s13] =	ssyncset.done $0x0  }
0x52: {  	s3 =	sadd.s32 $0x1, s3  }
0x53: {  	[sflag:s13] =	ssyncadd.s32 $0xFFFFC000;
	p0 =	sne.s32 s3, s11  }
.Ltmp3:
0x54: {  	[bflag:$0x0] =	sbarrier.arrive $0xFFFF;
	(pc) =	sbr.rel @p0 .LBB2_1-.Ltmp3, $4  }
0x55: {  	[hbm:s10], [sflag:s15] =	dma.local [spmem:s16], $0x2800  }
0x56: {  	_ =	swait.ge [sflag:s13], $0x2800  }
0x57: {  	[sflag:s13] =	ssyncset.done $0x0  }
0x58: {  	[sflag:s13] =	ssyncadd.s32 $0xFFFFD800  }
0x59: {  	_ =	sfence.sel $0x180000  }
0x5a: {  	[bflag:$0x0] =	sbarrier.arrive $0xFFFF  }
0x5b: {  	p0 =	sne.s32 s0, $0x0;
	_ =	strace $0x90000047  }
0x5c: {  	s0 =	sadd.s32 @!p0 $0x100000, s1;
	[bflag:$0x2] =	sbarrier.arrive $0xFFFF  }
0x5d: {  	[sflag:s0] =	ssyncadd.tile.s32 @!p0 $0x1;
	_ =	shalt  }
.Lfunc_end2:
_tile_overlayer_lowered:
.L_overlay_start_2:
0x5e: {  	(tag) =	ssettag $0x2  }
0x5f: {  	s0 =	rddreg [dreg:$0x0];
	s2 =	stileid.u32  }
0x60: {  	s1 =	rddreg [dreg:$0x1];
	p0 =	sne.s32 s2, $0x0  }
0x61: {  	s3 =	rddreg [dreg:$0x2];
	[bflag:$0x3] =	sbarrier.arrive $0xFFFF;
	s2 =	simm.s32 @!p0 $0x1C01  }
0x62: {  	[timem:s3], [sflag:s2] =	dma.local @!p0 [hbm:s0], s1  }
0x63: {  	s0 =	simm.s32 @!p0 $0x1  }
0x64: {  	_ =	swait.ge @!p0 [sflag:s0], s1  }
0x65: {  	s1 =	ssub.s32 @!p0 $0x0, s1;
	[sflag:s0] =	ssyncset.done @!p0 $0x0  }
0x66: {  	[sflag:s0] =	ssyncadd.s32 @!p0 s1  }
0x67: {  	[bflag:$0x3] =	sbarrier.arrive $0xFFFF  }
0x68: {  	_ =	shalt  }

</sc_bundles>
